<compile_context>
chip_gen: v7x
topology: tpu7x:2x2x1
jax: 0.10.2.dev20260603
libtpu: 0.0.44.dev20260713+nightly
codegen_flags: <defaults>
</compile_context>

<pallas_src>
import functools

import jax
import jax.numpy as jnp
from jax import lax
from jax.experimental import pallas as pl
from jax.experimental.pallas import tpu as pltpu
from jax.experimental.pallas import tpu_sc as plsc

BATCH = 4096
SEQ_LEN = 200
EMBED_DIM = 64
TOTAL = BATCH * SEQ_LEN

NC = 2
NS = 16
NW = NC * NS

CHUNK = 128
PER_W = TOTAL // NW
NCHUNK = PER_W // CHUNK
NBUF = 8
KLAG = 4

assert PER_W * NW == TOTAL and NCHUNK * CHUNK == PER_W
assert NCHUNK % NBUF == 0 and 0 < KLAG < NBUF

_mesh = plsc.VectorSubcoreMesh(core_axis_name="c", subcore_axis_name="s")


@functools.partial(
    pl.kernel,
    out_type=jax.ShapeDtypeStruct((TOTAL, EMBED_DIM), jnp.float32),
    mesh=_mesh,
    scratch_types=[
        pltpu.VMEM((NCHUNK, CHUNK), jnp.int32),
        pltpu.VMEM((NBUF, CHUNK, EMBED_DIM), jnp.float32),
        pltpu.SemaphoreType.DMA((NBUF,)),
        pltpu.SemaphoreType.DMA((NBUF,)),
    ],
    compiler_params=pltpu.CompilerParams(use_tc_tiling_on_sc=False),
)
def _gather_kernel(ids_hbm, table_hbm, out_hbm, idx_v, rows_v, g_sem, s_sem):
    wid = lax.axis_index("s") * NC + lax.axis_index("c")
    out_base = wid * PER_W

    pltpu.sync_copy(ids_hbm.at[wid], idx_v)

    def start_gather(c, b):
        pltpu.async_copy(table_hbm.at[idx_v.at[c]], rows_v.at[b], g_sem.at[b])

    def wait_gather(c, b):
        pltpu.make_async_copy(
            table_hbm.at[idx_v.at[c]], rows_v.at[b], g_sem.at[b]
        ).wait()

    def start_scatter(c, b):
        pltpu.async_copy(
            rows_v.at[b], out_hbm.at[pl.ds(out_base + c * CHUNK, CHUNK)],
            s_sem.at[b],
        )

    def wait_scatter(c, b):
        pltpu.make_async_copy(
            rows_v.at[b], out_hbm.at[pl.ds(out_base + c * CHUNK, CHUNK)],
            s_sem.at[b],
        ).wait()

    for b in range(NBUF):
        start_gather(b, b)

    @pl.loop(0, NCHUNK, step=NBUF)
    def _ring(g):
        for b in range(NBUF):
            c = g + b
            wait_gather(c, b)
            start_scatter(c, b)

            b2 = (b - KLAG) % NBUF
            c2 = c - KLAG

            @pl.when((c2 >= 0) & (c2 + NBUF < NCHUNK))
            def _refill():
                wait_scatter(c2, b2)
                start_gather(c2 + NBUF, b2)

    for b in range(NBUF):
        wait_scatter(NCHUNK - NBUF + b, b)


def kernel(source_ids, table):
    ids = source_ids.astype(jnp.int32).reshape(NW, NCHUNK, CHUNK)
    out = _gather_kernel(ids, table)
    return out.reshape(BATCH, SEQ_LEN, EMBED_DIM)

# --- scband reference (transcript-rebuilt; emitter-appended) ---
"""Pipeline reference for scband-source-embedding-23493471109773 (READ-ONLY COPY).

The authoritative reference and input builder live on the scoring server;
editing this copy changes nothing except your own understanding.
"""

import jax, jax.numpy as jnp
import numpy as np

NUM_SOURCES = 1000000
EMBED_DIM = 64
BATCH = 4096
SEQ_LEN = 200


def setup_inputs(seed: int = 0) -> dict:
    key = jax.random.key(seed)
    k_idx, k_tab = jax.random.split(key)
    source_ids = jax.random.randint(k_idx, (BATCH, SEQ_LEN), 0, NUM_SOURCES, dtype=jnp.int64 if jax.config.jax_enable_x64 else jnp.int32)
    table = jax.random.normal(k_tab, (NUM_SOURCES, EMBED_DIM), dtype=jnp.float32)
    return {"source_ids": source_ids, "table": table}


def reference(source_ids, table):
    # nn.Embedding forward: gather rows of the table by index
    return jnp.take(table, source_ids, axis=0)

if __name__ == "__main__":
    import jax
    _d = setup_inputs()
    print(jax.jit(kernel)(*tuple(_d.values())))

</pallas_src>

<mosaic_0001>
#map = affine_map<(d0, d1) -> (0, 0, 0)>
#map1 = affine_map<(d0, d1) -> (0, 0)>
module attributes {stable_mosaic.version = 14 : i64} {
  func.func @_gather_kernel(%arg0: i32, %arg1: i32, %arg2: memref<32x200x128xi32, #tpu.memory_space<hbm>>, %arg3: memref<1000000x64xf32, #tpu.memory_space<hbm>>, %arg4: memref<819200x64xf32, #tpu.memory_space<hbm>>, %arg5: memref<200x128xi32, #tpu.memory_space<vmem>>, %arg6: memref<8x128x64xf32, #tpu.memory_space<vmem>>, %arg7: memref<8x!tpu.dma_semaphore, #tpu.memory_space<semaphore_mem>>, %arg8: memref<8x!tpu.dma_semaphore, #tpu.memory_space<semaphore_mem>>) attributes {dimension_semantics = [#tpu.dimension_semantics<core_parallel>, #tpu.dimension_semantics<subcore_parallel>], iteration_bounds = array<i64: 2, 16>, scalar_prefetch = 0 : i64, scratch_operands = 4 : i64, tpu.core_type = #tpu.core_type<sc_vector_subcore>, window_params = [{transform_indices = #map}, {transform_indices = #map1}, {transform_indices = #map1}]} {
    %mul3A = arith.constant 2 : i32
    %mul3A_0 = arith.muli %arg1, %mul3A : i32
    %add3A = arith.addi %mul3A_0, %arg0 : i32
    %mul3A_1 = arith.constant 25600 : i32
    %mul3A_2 = arith.muli %add3A, %mul3A_1 : i32
    "tpu.region"() ({
      %run_scoped3A = tpu.sem_alloc : memref<!tpu.dma_semaphore, #tpu.memory_space<semaphore_mem>>
      %dma_start3A_269 = arith.constant 0 : i32
      %dma_start3A_270 = arith.constant 0 : i32
      %dma_start3A_271 = tpu.memref_slice %arg2[%add3A, %dma_start3A_269, %dma_start3A_270] : memref<32x200x128xi32, #tpu.memory_space<hbm>> -> memref<1x200x128xi32, #tpu.memory_space<hbm>>
      %dma_start3A_272 = tpu.memref_squeeze %dma_start3A_271 : memref<1x200x128xi32, #tpu.memory_space<hbm>> -> memref<200x128xi32, #tpu.memory_space<hbm>>
      %dma_start3A_273 = arith.constant 0 : i32
      %dma_start3A_274 = arith.constant 0 : i32
      %dma_start3A_275 = tpu.memref_slice %arg2[%add3A, %dma_start3A_273, %dma_start3A_274] : memref<32x200x128xi32, #tpu.memory_space<hbm>> -> memref<1x200x128xi32, #tpu.memory_space<hbm>>
      %dma_start3A_276 = tpu.memref_squeeze %dma_start3A_275 : memref<1x200x128xi32, #tpu.memory_space<hbm>> -> memref<200x128xi32, #tpu.memory_space<hbm>>
      tpu.enqueue_dma source(%dma_start3A_276 : memref<200x128xi32, #tpu.memory_space<hbm>>) target(%arg5 : memref<200x128xi32, #tpu.memory_space<vmem>>) target_semaphore(%run_scoped3A : memref<!tpu.dma_semaphore, #tpu.memory_space<semaphore_mem>>)
      %dma_wait3A_277 = arith.constant 0 : i32
      %dma_wait3A_278 = arith.constant 0 : i32
      %dma_wait3A_279 = tpu.memref_slice %arg2[%add3A, %dma_wait3A_277, %dma_wait3A_278] : memref<32x200x128xi32, #tpu.memory_space<hbm>> -> memref<1x200x128xi32, #tpu.memory_space<hbm>>
      %dma_wait3A_280 = tpu.memref_squeeze %dma_wait3A_279 : memref<1x200x128xi32, #tpu.memory_space<hbm>> -> memref<200x128xi32, #tpu.memory_space<hbm>>
      %dma_wait3A_281 = arith.constant 0 : i32
      %dma_wait3A_282 = arith.constant 0 : i32
      %dma_wait3A_283 = tpu.memref_slice %arg2[%add3A, %dma_wait3A_281, %dma_wait3A_282] : memref<32x200x128xi32, #tpu.memory_space<hbm>> -> memref<1x200x128xi32, #tpu.memory_space<hbm>>
      %dma_wait3A_284 = tpu.memref_squeeze %dma_wait3A_283 : memref<1x200x128xi32, #tpu.memory_space<hbm>> -> memref<200x128xi32, #tpu.memory_space<hbm>>
      tpu.wait_dma2 semaphore(%run_scoped3A : memref<!tpu.dma_semaphore, #tpu.memory_space<semaphore_mem>>) src(%dma_wait3A_284 : memref<200x128xi32, #tpu.memory_space<hbm>>) dst(%arg5 : memref<200x128xi32, #tpu.memory_space<vmem>>)
      tpu.yield
    }) : () -> ()
    %dma_start3A = arith.constant 0 : i32
    %dma_start3A_3 = arith.constant 0 : i32
    %dma_start3A_4 = arith.constant 0 : i32
    %dma_start3A_5 = arith.constant 0 : i32
    %dma_start3A_6 = arith.constant 0 : i32
    %dma_start3A_7 = tpu.memref_slice %arg6[%dma_start3A_3, %dma_start3A_5, %dma_start3A_6] : memref<8x128x64xf32, #tpu.memory_space<vmem>> -> memref<1x128x64xf32, #tpu.memory_space<vmem>>
    %dma_start3A_8 = tpu.memref_squeeze %dma_start3A_7 : memref<1x128x64xf32, #tpu.memory_space<vmem>> -> memref<128x64xf32, #tpu.memory_space<vmem>>
    %dma_start3A_9 = arith.constant 0 : i32
    %dma_start3A_10 = tpu.memref_slice %arg5[%dma_start3A, %dma_start3A_9] : memref<200x128xi32, #tpu.memory_space<vmem>> -> memref<1x128xi32, #tpu.memory_space<vmem>>
    %dma_start3A_11 = tpu.memref_squeeze %dma_start3A_10 : memref<1x128xi32, #tpu.memory_space<vmem>> -> memref<128xi32, #tpu.memory_space<vmem>>
    %dma_start3A_12 = arith.constant 0 : i32
    %dma_start3A_13 = arith.constant 0 : i32
    %dma_start3A_14 = tpu.memref_slice %arg3[%dma_start3A_12, %dma_start3A_13] : memref<1000000x64xf32, #tpu.memory_space<hbm>> -> memref<1000000x64xf32, #tpu.memory_space<hbm>>
    %dma_start3A_15 = tpu.memref_slice %arg7[%dma_start3A_4] : memref<8x!tpu.dma_semaphore, #tpu.memory_space<semaphore_mem>> -> memref<1x!tpu.dma_semaphore, #tpu.memory_space<semaphore_mem>>
    %dma_start3A_16 = tpu.memref_squeeze %dma_start3A_15 : memref<1x!tpu.dma_semaphore, #tpu.memory_space<semaphore_mem>> -> memref<!tpu.dma_semaphore, #tpu.memory_space<semaphore_mem>>
    tpu.enqueue_indirect_dma source(%dma_start3A_14 : memref<1000000x64xf32, #tpu.memory_space<hbm>>) target(%dma_start3A_8 : memref<128x64xf32, #tpu.memory_space<vmem>>) offsets(%dma_start3A_11 : memref<128xi32, #tpu.memory_space<vmem>>) semaphore(%dma_start3A_16 : memref<!tpu.dma_semaphore, #tpu.memory_space<semaphore_mem>>)
    %dma_start3A_17 = arith.constant 1 : i32
    %dma_start3A_18 = arith.constant 1 : i32
    %dma_start3A_19 = arith.constant 1 : i32
    %dma_start3A_20 = arith.constant 0 : i32
    %dma_start3A_21 = arith.constant 0 : i32
    %dma_start3A_22 = tpu.memref_slice %arg6[%dma_start3A_18, %dma_start3A_20, %dma_start3A_21] : memref<8x128x64xf32, #tpu.memory_space<vmem>> -> memref<1x128x64xf32, #tpu.memory_space<vmem>>
    %dma_start3A_23 = tpu.memref_squeeze %dma_start3A_22 : memref<1x128x64xf32, #tpu.memory_space<vmem>> -> memref<128x64xf32, #tpu.memory_space<vmem>>
    %dma_start3A_24 = arith.constant 0 : i32
    %dma_start3A_25 = tpu.memref_slice %arg5[%dma_start3A_17, %dma_start3A_24] : memref<200x128xi32, #tpu.memory_space<vmem>> -> memref<1x128xi32, #tpu.memory_space<vmem>>
    %dma_start3A_26 = tpu.memref_squeeze %dma_start3A_25 : memref<1x128xi32, #tpu.memory_space<vmem>> -> memref<128xi32, #tpu.memory_space<vmem>>
    %dma_start3A_27 = arith.constant 0 : i32
    %dma_start3A_28 = arith.constant 0 : i32
    %dma_start3A_29 = tpu.memref_slice %arg3[%dma_start3A_27, %dma_start3A_28] : memref<1000000x64xf32, #tpu.memory_space<hbm>> -> memref<1000000x64xf32, #tpu.memory_space<hbm>>
    %dma_start3A_30 = tpu.memref_slice %arg7[%dma_start3A_19] : memref<8x!tpu.dma_semaphore, #tpu.memory_space<semaphore_mem>> -> memref<1x!tpu.dma_semaphore, #tpu.memory_space<semaphore_mem>>
    %dma_start3A_31 = tpu.memref_squeeze %dma_start3A_30 : memref<1x!tpu.dma_semaphore, #tpu.memory_space<semaphore_mem>> -> memref<!tpu.dma_semaphore, #tpu.memory_space<semaphore_mem>>
    tpu.enqueue_indirect_dma source(%dma_start3A_29 : memref<1000000x64xf32, #tpu.memory_space<hbm>>) target(%dma_start3A_23 : memref<128x64xf32, #tpu.memory_space<vmem>>) offsets(%dma_start3A_26 : memref<128xi32, #tpu.memory_space<vmem>>) semaphore(%dma_start3A_31 : memref<!tpu.dma_semaphore, #tpu.memory_space<semaphore_mem>>)
    %dma_start3A_32 = arith.constant 2 : i32
    %dma_start3A_33 = arith.constant 2 : i32
    %dma_start3A_34 = arith.constant 2 : i32
    %dma_start3A_35 = arith.constant 0 : i32
    %dma_start3A_36 = arith.constant 0 : i32
    %dma_start3A_37 = tpu.memref_slice %arg6[%dma_start3A_33, %dma_start3A_35, %dma_start3A_36] : memref<8x128x64xf32, #tpu.memory_space<vmem>> -> memref<1x128x64xf32, #tpu.memory_space<vmem>>
    %dma_start3A_38 = tpu.memref_squeeze %dma_start3A_37 : memref<1x128x64xf32, #tpu.memory_space<vmem>> -> memref<128x64xf32, #tpu.memory_space<vmem>>
    %dma_start3A_39 = arith.constant 0 : i32
    %dma_start3A_40 = tpu.memref_slice %arg5[%dma_start3A_32, %dma_start3A_39] : memref<200x128xi32, #tpu.memory_space<vmem>> -> memref<1x128xi32, #tpu.memory_space<vmem>>
    %dma_start3A_41 = tpu.memref_squeeze %dma_start3A_40 : memref<1x128xi32, #tpu.memory_space<vmem>> -> memref<128xi32, #tpu.memory_space<vmem>>
    %dma_start3A_42 = arith.constant 0 : i32
    %dma_start3A_43 = arith.constant 0 : i32
    %dma_start3A_44 = tpu.memref_slice %arg3[%dma_start3A_42, %dma_start3A_43] : memref<1000000x64xf32, #tpu.memory_space<hbm>> -> memref<1000000x64xf32, #tpu.memory_space<hbm>>
    %dma_start3A_45 = tpu.memref_slice %arg7[%dma_start3A_34] : memref<8x!tpu.dma_semaphore, #tpu.memory_space<semaphore_mem>> -> memref<1x!tpu.dma_semaphore, #tpu.memory_space<semaphore_mem>>
    %dma_start3A_46 = tpu.memref_squeeze %dma_start3A_45 : memref<1x!tpu.dma_semaphore, #tpu.memory_space<semaphore_mem>> -> memref<!tpu.dma_semaphore, #tpu.memory_space<semaphore_mem>>
    tpu.enqueue_indirect_dma source(%dma_start3A_44 : memref<1000000x64xf32, #tpu.memory_space<hbm>>) target(%dma_start3A_38 : memref<128x64xf32, #tpu.memory_space<vmem>>) offsets(%dma_start3A_41 : memref<128xi32, #tpu.memory_space<vmem>>) semaphore(%dma_start3A_46 : memref<!tpu.dma_semaphore, #tpu.memory_space<semaphore_mem>>)
    %dma_start3A_47 = arith.constant 3 : i32
    %dma_start3A_48 = arith.constant 3 : i32
    %dma_start3A_49 = arith.constant 3 : i32
    %dma_start3A_50 = arith.constant 0 : i32
    %dma_start3A_51 = arith.constant 0 : i32
    %dma_start3A_52 = tpu.memref_slice %arg6[%dma_start3A_48, %dma_start3A_50, %dma_start3A_51] : memref<8x128x64xf32, #tpu.memory_space<vmem>> -> memref<1x128x64xf32, #tpu.memory_space<vmem>>
    %dma_start3A_53 = tpu.memref_squeeze %dma_start3A_52 : memref<1x128x64xf32, #tpu.memory_space<vmem>> -> memref<128x64xf32, #tpu.memory_space<vmem>>
    %dma_start3A_54 = arith.constant 0 : i32
    %dma_start3A_55 = tpu.memref_slice %arg5[%dma_start3A_47, %dma_start3A_54] : memref<200x128xi32, #tpu.memory_space<vmem>> -> memref<1x128xi32, #tpu.memory_space<vmem>>
    %dma_start3A_56 = tpu.memref_squeeze %dma_start3A_55 : memref<1x128xi32, #tpu.memory_space<vmem>> -> memref<128xi32, #tpu.memory_space<vmem>>
    %dma_start3A_57 = arith.constant 0 : i32
    %dma_start3A_58 = arith.constant 0 : i32
    %dma_start3A_59 = tpu.memref_slice %arg3[%dma_start3A_57, %dma_start3A_58] : memref<1000000x64xf32, #tpu.memory_space<hbm>> -> memref<1000000x64xf32, #tpu.memory_space<hbm>>
    %dma_start3A_60 = tpu.memref_slice %arg7[%dma_start3A_49] : memref<8x!tpu.dma_semaphore, #tpu.memory_space<semaphore_mem>> -> memref<1x!tpu.dma_semaphore, #tpu.memory_space<semaphore_mem>>
    %dma_start3A_61 = tpu.memref_squeeze %dma_start3A_60 : memref<1x!tpu.dma_semaphore, #tpu.memory_space<semaphore_mem>> -> memref<!tpu.dma_semaphore, #tpu.memory_space<semaphore_mem>>
    tpu.enqueue_indirect_dma source(%dma_start3A_59 : memref<1000000x64xf32, #tpu.memory_space<hbm>>) target(%dma_start3A_53 : memref<128x64xf32, #tpu.memory_space<vmem>>) offsets(%dma_start3A_56 : memref<128xi32, #tpu.memory_space<vmem>>) semaphore(%dma_start3A_61 : memref<!tpu.dma_semaphore, #tpu.memory_space<semaphore_mem>>)
    %dma_start3A_62 = arith.constant 4 : i32
    %dma_start3A_63 = arith.constant 4 : i32
    %dma_start3A_64 = arith.constant 4 : i32
    %dma_start3A_65 = arith.constant 0 : i32
    %dma_start3A_66 = arith.constant 0 : i32
    %dma_start3A_67 = tpu.memref_slice %arg6[%dma_start3A_63, %dma_start3A_65, %dma_start3A_66] : memref<8x128x64xf32, #tpu.memory_space<vmem>> -> memref<1x128x64xf32, #tpu.memory_space<vmem>>
    %dma_start3A_68 = tpu.memref_squeeze %dma_start3A_67 : memref<1x128x64xf32, #tpu.memory_space<vmem>> -> memref<128x64xf32, #tpu.memory_space<vmem>>
    %dma_start3A_69 = arith.constant 0 : i32
    %dma_start3A_70 = tpu.memref_slice %arg5[%dma_start3A_62, %dma_start3A_69] : memref<200x128xi32, #tpu.memory_space<vmem>> -> memref<1x128xi32, #tpu.memory_space<vmem>>
    %dma_start3A_71 = tpu.memref_squeeze %dma_start3A_70 : memref<1x128xi32, #tpu.memory_space<vmem>> -> memref<128xi32, #tpu.memory_space<vmem>>
    %dma_start3A_72 = arith.constant 0 : i32
    %dma_start3A_73 = arith.constant 0 : i32
    %dma_start3A_74 = tpu.memref_slice %arg3[%dma_start3A_72, %dma_start3A_73] : memref<1000000x64xf32, #tpu.memory_space<hbm>> -> memref<1000000x64xf32, #tpu.memory_space<hbm>>
    %dma_start3A_75 = tpu.memref_slice %arg7[%dma_start3A_64] : memref<8x!tpu.dma_semaphore, #tpu.memory_space<semaphore_mem>> -> memref<1x!tpu.dma_semaphore, #tpu.memory_space<semaphore_mem>>
    %dma_start3A_76 = tpu.memref_squeeze %dma_start3A_75 : memref<1x!tpu.dma_semaphore, #tpu.memory_space<semaphore_mem>> -> memref<!tpu.dma_semaphore, #tpu.memory_space<semaphore_mem>>
    tpu.enqueue_indirect_dma source(%dma_start3A_74 : memref<1000000x64xf32, #tpu.memory_space<hbm>>) target(%dma_start3A_68 : memref<128x64xf32, #tpu.memory_space<vmem>>) offsets(%dma_start3A_71 : memref<128xi32, #tpu.memory_space<vmem>>) semaphore(%dma_start3A_76 : memref<!tpu.dma_semaphore, #tpu.memory_space<semaphore_mem>>)
    %dma_start3A_77 = arith.constant 5 : i32
    %dma_start3A_78 = arith.constant 5 : i32
    %dma_start3A_79 = arith.constant 5 : i32
    %dma_start3A_80 = arith.constant 0 : i32
    %dma_start3A_81 = arith.constant 0 : i32
    %dma_start3A_82 = tpu.memref_slice %arg6[%dma_start3A_78, %dma_start3A_80, %dma_start3A_81] : memref<8x128x64xf32, #tpu.memory_space<vmem>> -> memref<1x128x64xf32, #tpu.memory_space<vmem>>
    %dma_start3A_83 = tpu.memref_squeeze %dma_start3A_82 : memref<1x128x64xf32, #tpu.memory_space<vmem>> -> memref<128x64xf32, #tpu.memory_space<vmem>>
    %dma_start3A_84 = arith.constant 0 : i32
    %dma_start3A_85 = tpu.memref_slice %arg5[%dma_start3A_77, %dma_start3A_84] : memref<200x128xi32, #tpu.memory_space<vmem>> -> memref<1x128xi32, #tpu.memory_space<vmem>>
    %dma_start3A_86 = tpu.memref_squeeze %dma_start3A_85 : memref<1x128xi32, #tpu.memory_space<vmem>> -> memref<128xi32, #tpu.memory_space<vmem>>
    %dma_start3A_87 = arith.constant 0 : i32
    %dma_start3A_88 = arith.constant 0 : i32
    %dma_start3A_89 = tpu.memref_slice %arg3[%dma_start3A_87, %dma_start3A_88] : memref<1000000x64xf32, #tpu.memory_space<hbm>> -> memref<1000000x64xf32, #tpu.memory_space<hbm>>
    %dma_start3A_90 = tpu.memref_slice %arg7[%dma_start3A_79] : memref<8x!tpu.dma_semaphore, #tpu.memory_space<semaphore_mem>> -> memref<1x!tpu.dma_semaphore, #tpu.memory_space<semaphore_mem>>
    %dma_start3A_91 = tpu.memref_squeeze %dma_start3A_90 : memref<1x!tpu.dma_semaphore, #tpu.memory_space<semaphore_mem>> -> memref<!tpu.dma_semaphore, #tpu.memory_space<semaphore_mem>>
    tpu.enqueue_indirect_dma source(%dma_start3A_89 : memref<1000000x64xf32, #tpu.memory_space<hbm>>) target(%dma_start3A_83 : memref<128x64xf32, #tpu.memory_space<vmem>>) offsets(%dma_start3A_86 : memref<128xi32, #tpu.memory_space<vmem>>) semaphore(%dma_start3A_91 : memref<!tpu.dma_semaphore, #tpu.memory_space<semaphore_mem>>)
    %dma_start3A_92 = arith.constant 6 : i32
    %dma_start3A_93 = arith.constant 6 : i32
    %dma_start3A_94 = arith.constant 6 : i32
    %dma_start3A_95 = arith.constant 0 : i32
    %dma_start3A_96 = arith.constant 0 : i32
    %dma_start3A_97 = tpu.memref_slice %arg6[%dma_start3A_93, %dma_start3A_95, %dma_start3A_96] : memref<8x128x64xf32, #tpu.memory_space<vmem>> -> memref<1x128x64xf32, #tpu.memory_space<vmem>>
    %dma_start3A_98 = tpu.memref_squeeze %dma_start3A_97 : memref<1x128x64xf32, #tpu.memory_space<vmem>> -> memref<128x64xf32, #tpu.memory_space<vmem>>
    %dma_start3A_99 = arith.constant 0 : i32
    %dma_start3A_100 = tpu.memref_slice %arg5[%dma_start3A_92, %dma_start3A_99] : memref<200x128xi32, #tpu.memory_space<vmem>> -> memref<1x128xi32, #tpu.memory_space<vmem>>
    %dma_start3A_101 = tpu.memref_squeeze %dma_start3A_100 : memref<1x128xi32, #tpu.memory_space<vmem>> -> memref<128xi32, #tpu.memory_space<vmem>>
    %dma_start3A_102 = arith.constant 0 : i32
    %dma_start3A_103 = arith.constant 0 : i32
    %dma_start3A_104 = tpu.memref_slice %arg3[%dma_start3A_102, %dma_start3A_103] : memref<1000000x64xf32, #tpu.memory_space<hbm>> -> memref<1000000x64xf32, #tpu.memory_space<hbm>>
    %dma_start3A_105 = tpu.memref_slice %arg7[%dma_start3A_94] : memref<8x!tpu.dma_semaphore, #tpu.memory_space<semaphore_mem>> -> memref<1x!tpu.dma_semaphore, #tpu.memory_space<semaphore_mem>>
    %dma_start3A_106 = tpu.memref_squeeze %dma_start3A_105 : memref<1x!tpu.dma_semaphore, #tpu.memory_space<semaphore_mem>> -> memref<!tpu.dma_semaphore, #tpu.memory_space<semaphore_mem>>
    tpu.enqueue_indirect_dma source(%dma_start3A_104 : memref<1000000x64xf32, #tpu.memory_space<hbm>>) target(%dma_start3A_98 : memref<128x64xf32, #tpu.memory_space<vmem>>) offsets(%dma_start3A_101 : memref<128xi32, #tpu.memory_space<vmem>>) semaphore(%dma_start3A_106 : memref<!tpu.dma_semaphore, #tpu.memory_space<semaphore_mem>>)
    %dma_start3A_107 = arith.constant 7 : i32
    %dma_start3A_108 = arith.constant 7 : i32
    %dma_start3A_109 = arith.constant 7 : i32
    %dma_start3A_110 = arith.constant 0 : i32
    %dma_start3A_111 = arith.constant 0 : i32
    %dma_start3A_112 = tpu.memref_slice %arg6[%dma_start3A_108, %dma_start3A_110, %dma_start3A_111] : memref<8x128x64xf32, #tpu.memory_space<vmem>> -> memref<1x128x64xf32, #tpu.memory_space<vmem>>
    %dma_start3A_113 = tpu.memref_squeeze %dma_start3A_112 : memref<1x128x64xf32, #tpu.memory_space<vmem>> -> memref<128x64xf32, #tpu.memory_space<vmem>>
    %dma_start3A_114 = arith.constant 0 : i32
    %dma_start3A_115 = tpu.memref_slice %arg5[%dma_start3A_107, %dma_start3A_114] : memref<200x128xi32, #tpu.memory_space<vmem>> -> memref<1x128xi32, #tpu.memory_space<vmem>>
    %dma_start3A_116 = tpu.memref_squeeze %dma_start3A_115 : memref<1x128xi32, #tpu.memory_space<vmem>> -> memref<128xi32, #tpu.memory_space<vmem>>
    %dma_start3A_117 = arith.constant 0 : i32
    %dma_start3A_118 = arith.constant 0 : i32
    %dma_start3A_119 = tpu.memref_slice %arg3[%dma_start3A_117, %dma_start3A_118] : memref<1000000x64xf32, #tpu.memory_space<hbm>> -> memref<1000000x64xf32, #tpu.memory_space<hbm>>
    %dma_start3A_120 = tpu.memref_slice %arg7[%dma_start3A_109] : memref<8x!tpu.dma_semaphore, #tpu.memory_space<semaphore_mem>> -> memref<1x!tpu.dma_semaphore, #tpu.memory_space<semaphore_mem>>
    %dma_start3A_121 = tpu.memref_squeeze %dma_start3A_120 : memref<1x!tpu.dma_semaphore, #tpu.memory_space<semaphore_mem>> -> memref<!tpu.dma_semaphore, #tpu.memory_space<semaphore_mem>>
    tpu.enqueue_indirect_dma source(%dma_start3A_119 : memref<1000000x64xf32, #tpu.memory_space<hbm>>) target(%dma_start3A_113 : memref<128x64xf32, #tpu.memory_space<vmem>>) offsets(%dma_start3A_116 : memref<128xi32, #tpu.memory_space<vmem>>) semaphore(%dma_start3A_121 : memref<!tpu.dma_semaphore, #tpu.memory_space<semaphore_mem>>)
    %scan3A = arith.constant 0 : i32
    %scan3A_122 = arith.constant 25 : i32
    %scan3A_123 = arith.addi %scan3A, %scan3A_122 : i32
    %scan3A_124 = arith.constant 1 : i32
    scf.for %scan3A_269 = %scan3A to %scan3A_123 step %scan3A_124  : i32 {
      %mul3A_270 = arith.constant 8 : i32
      %mul3A_271 = arith.muli %scan3A_269, %mul3A_270 : i32
      %add3A_272 = arith.constant 0 : i32
      %add3A_273 = arith.addi %add3A_272, %mul3A_271 : i32
      %add3A_274 = arith.constant 0 : i32
      %add3A_275 = arith.addi %add3A_273, %add3A_274 : i32
      %dma_wait3A_276 = arith.constant 0 : i32
      %dma_wait3A_277 = arith.constant 0 : i32
      %dma_wait3A_278 = arith.constant 0 : i32
      %dma_wait3A_279 = arith.constant 0 : i32
      %dma_wait3A_280 = tpu.memref_slice %arg6[%dma_wait3A_276, %dma_wait3A_278, %dma_wait3A_279] : memref<8x128x64xf32, #tpu.memory_space<vmem>> -> memref<1x128x64xf32, #tpu.memory_space<vmem>>
      %dma_wait3A_281 = tpu.memref_squeeze %dma_wait3A_280 : memref<1x128x64xf32, #tpu.memory_space<vmem>> -> memref<128x64xf32, #tpu.memory_space<vmem>>
      %dma_wait3A_282 = arith.constant 0 : i32
      %dma_wait3A_283 = tpu.memref_slice %arg5[%add3A_275, %dma_wait3A_282] : memref<200x128xi32, #tpu.memory_space<vmem>> -> memref<1x128xi32, #tpu.memory_space<vmem>>
      %dma_wait3A_284 = tpu.memref_squeeze %dma_wait3A_283 : memref<1x128xi32, #tpu.memory_space<vmem>> -> memref<128xi32, #tpu.memory_space<vmem>>
      %dma_wait3A_285 = arith.constant 0 : i32
      %dma_wait3A_286 = arith.constant 0 : i32
      %dma_wait3A_287 = tpu.memref_slice %arg3[%dma_wait3A_285, %dma_wait3A_286] : memref<1000000x64xf32, #tpu.memory_space<hbm>> -> memref<1000000x64xf32, #tpu.memory_space<hbm>>
      %dma_wait3A_288 = tpu.memref_slice %arg7[%dma_wait3A_277] : memref<8x!tpu.dma_semaphore, #tpu.memory_space<semaphore_mem>> -> memref<1x!tpu.dma_semaphore, #tpu.memory_space<semaphore_mem>>
      %dma_wait3A_289 = tpu.memref_squeeze %dma_wait3A_288 : memref<1x!tpu.dma_semaphore, #tpu.memory_space<semaphore_mem>> -> memref<!tpu.dma_semaphore, #tpu.memory_space<semaphore_mem>>
      tpu.wait_indirect_dma semaphore(%dma_wait3A_289 : memref<!tpu.dma_semaphore, #tpu.memory_space<semaphore_mem>>) src(%dma_wait3A_287 : memref<1000000x64xf32, #tpu.memory_space<hbm>>) dst(%dma_wait3A_281 : memref<128x64xf32, #tpu.memory_space<vmem>>)
      %mul3A_290 = arith.constant 128 : i32
      %mul3A_291 = arith.muli %add3A_275, %mul3A_290 : i32
      %add3A_292 = arith.addi %mul3A_2, %mul3A_291 : i32
      %dma_start3A_293 = arith.constant 0 : i32
      %dma_start3A_294 = arith.constant 0 : i32
      %dma_start3A_295 = arith.constant 0 : i32
      %dma_start3A_296 = arith.constant 0 : i32
      %dma_start3A_297 = tpu.memref_slice %arg6[%dma_start3A_293, %dma_start3A_295, %dma_start3A_296] : memref<8x128x64xf32, #tpu.memory_space<vmem>> -> memref<1x128x64xf32, #tpu.memory_space<vmem>>
      %dma_start3A_298 = tpu.memref_squeeze %dma_start3A_297 : memref<1x128x64xf32, #tpu.memory_space<vmem>> -> memref<128x64xf32, #tpu.memory_space<vmem>>
      %dma_start3A_299 = arith.constant 0 : i32
      %dma_start3A_300 = tpu.memref_slice %arg4[%add3A_292, %dma_start3A_299] : memref<819200x64xf32, #tpu.memory_space<hbm>> -> memref<128x64xf32, #tpu.memory_space<hbm>>
      %dma_start3A_301 = tpu.memref_slice %arg8[%dma_start3A_294] : memref<8x!tpu.dma_semaphore, #tpu.memory_space<semaphore_mem>> -> memref<1x!tpu.dma_semaphore, #tpu.memory_space<semaphore_mem>>
      %dma_start3A_302 = tpu.memref_squeeze %dma_start3A_301 : memref<1x!tpu.dma_semaphore, #tpu.memory_space<semaphore_mem>> -> memref<!tpu.dma_semaphore, #tpu.memory_space<semaphore_mem>>
      %dma_start3A_303 = arith.constant 0 : i32
      %dma_start3A_304 = tpu.memref_slice %arg4[%add3A_292, %dma_start3A_303] : memref<819200x64xf32, #tpu.memory_space<hbm>> -> memref<128x64xf32, #tpu.memory_space<hbm>>
      %dma_start3A_305 = arith.constant 0 : i32
      %dma_start3A_306 = arith.constant 0 : i32
      %dma_start3A_307 = tpu.memref_slice %arg6[%dma_start3A_293, %dma_start3A_305, %dma_start3A_306] : memref<8x128x64xf32, #tpu.memory_space<vmem>> -> memref<1x128x64xf32, #tpu.memory_space<vmem>>
      %dma_start3A_308 = tpu.memref_squeeze %dma_start3A_307 : memref<1x128x64xf32, #tpu.memory_space<vmem>> -> memref<128x64xf32, #tpu.memory_space<vmem>>
      tpu.enqueue_dma source(%dma_start3A_308 : memref<128x64xf32, #tpu.memory_space<vmem>>) target(%dma_start3A_304 : memref<128x64xf32, #tpu.memory_space<hbm>>) target_semaphore(%dma_start3A_302 : memref<!tpu.dma_semaphore, #tpu.memory_space<semaphore_mem>>)
      %sub3A = arith.constant 4 : i32
      %sub3A_309 = arith.subi %add3A_275, %sub3A : i32
      %ge3A = arith.constant 0 : i32
      %ge3A_310 = arith.cmpi sge, %sub3A_309, %ge3A : i32
      %add3A_311 = arith.constant 8 : i32
      %add3A_312 = arith.addi %sub3A_309, %add3A_311 : i32
      %lt3A = arith.constant 200 : i32
      %lt3A_313 = arith.cmpi slt, %add3A_312, %lt3A : i32
      %and3A = arith.andi %ge3A_310, %lt3A_313 : i1
      %convert_element_type3A = arith.extui %and3A : i1 to i32
      %cond3A = arith.constant 0 : i32
      %cond3A_314 = arith.cmpi ne, %convert_element_type3A, %cond3A : i32
      scf.if %cond3A_314 {
        %mul3A_644 = arith.constant 128 : i32
        %mul3A_645 = arith.muli %sub3A_309, %mul3A_644 : i32
        %add3A_646 = arith.addi %mul3A_2, %mul3A_645 : i32
        %dma_wait3A_647 = arith.constant 4 : i32
        %dma_wait3A_648 = arith.constant 4 : i32
        %dma_wait3A_649 = arith.constant 0 : i32
        %dma_wait3A_650 = arith.constant 0 : i32
        %dma_wait3A_651 = tpu.memref_slice %arg6[%dma_wait3A_647, %dma_wait3A_649, %dma_wait3A_650] : memref<8x128x64xf32, #tpu.memory_space<vmem>> -> memref<1x128x64xf32, #tpu.memory_space<vmem>>
        %dma_wait3A_652 = tpu.memref_squeeze %dma_wait3A_651 : memref<1x128x64xf32, #tpu.memory_space<vmem>> -> memref<128x64xf32, #tpu.memory_space<vmem>>
        %dma_wait3A_653 = arith.constant 0 : i32
        %dma_wait3A_654 = tpu.memref_slice %arg4[%add3A_646, %dma_wait3A_653] : memref<819200x64xf32, #tpu.memory_space<hbm>> -> memref<128x64xf32, #tpu.memory_space<hbm>>
        %dma_wait3A_655 = tpu.memref_slice %arg8[%dma_wait3A_648] : memref<8x!tpu.dma_semaphore, #tpu.memory_space<semaphore_mem>> -> memref<1x!tpu.dma_semaphore, #tpu.memory_space<semaphore_mem>>
        %dma_wait3A_656 = tpu.memref_squeeze %dma_wait3A_655 : memref<1x!tpu.dma_semaphore, #tpu.memory_space<semaphore_mem>> -> memref<!tpu.dma_semaphore, #tpu.memory_space<semaphore_mem>>
        %dma_wait3A_657 = arith.constant 0 : i32
        %dma_wait3A_658 = tpu.memref_slice %arg4[%add3A_646, %dma_wait3A_657] : memref<819200x64xf32, #tpu.memory_space<hbm>> -> memref<128x64xf32, #tpu.memory_space<hbm>>
        %dma_wait3A_659 = arith.constant 0 : i32
        %dma_wait3A_660 = arith.constant 0 : i32
        %dma_wait3A_661 = tpu.memref_slice %arg6[%dma_wait3A_647, %dma_wait3A_659, %dma_wait3A_660] : memref<8x128x64xf32, #tpu.memory_space<vmem>> -> memref<1x128x64xf32, #tpu.memory_space<vmem>>
        %dma_wait3A_662 = tpu.memref_squeeze %dma_wait3A_661 : memref<1x128x64xf32, #tpu.memory_space<vmem>> -> memref<128x64xf32, #tpu.memory_space<vmem>>
        tpu.wait_dma2 semaphore(%dma_wait3A_656 : memref<!tpu.dma_semaphore, #tpu.memory_space<semaphore_mem>>) src(%dma_wait3A_662 : memref<128x64xf32, #tpu.memory_space<vmem>>) dst(%dma_wait3A_658 : memref<128x64xf32, #tpu.memory_space<hbm>>)
        %add3A_663 = arith.constant 8 : i32
        %add3A_664 = arith.addi %sub3A_309, %add3A_663 : i32
        %dma_start3A_665 = arith.constant 4 : i32
        %dma_start3A_666 = arith.constant 4 : i32
        %dma_start3A_667 = arith.constant 0 : i32
        %dma_start3A_668 = arith.constant 0 : i32
        %dma_start3A_669 = tpu.memref_slice %arg6[%dma_start3A_665, %dma_start3A_667, %dma_start3A_668] : memref<8x128x64xf32, #tpu.memory_space<vmem>> -> memref<1x128x64xf32, #tpu.memory_space<vmem>>
        %dma_start3A_670 = tpu.memref_squeeze %dma_start3A_669 : memref<1x128x64xf32, #tpu.memory_space<vmem>> -> memref<128x64xf32, #tpu.memory_space<vmem>>
        %dma_start3A_671 = arith.constant 0 : i32
        %dma_start3A_672 = tpu.memref_slice %arg5[%add3A_664, %dma_start3A_671] : memref<200x128xi32, #tpu.memory_space<vmem>> -> memref<1x128xi32, #tpu.memory_space<vmem>>
        %dma_start3A_673 = tpu.memref_squeeze %dma_start3A_672 : memref<1x128xi32, #tpu.memory_space<vmem>> -> memref<128xi32, #tpu.memory_space<vmem>>
        %dma_start3A_674 = arith.constant 0 : i32
        %dma_start3A_675 = arith.constant 0 : i32
        %dma_start3A_676 = tpu.memref_slice %arg3[%dma_start3A_674, %dma_start3A_675] : memref<1000000x64xf32, #tpu.memory_space<hbm>> -> memref<1000000x64xf32, #tpu.memory_space<hbm>>
        %dma_start3A_677 = tpu.memref_slice %arg7[%dma_start3A_666] : memref<8x!tpu.dma_semaphore, #tpu.memory_space<semaphore_mem>> -> memref<1x!tpu.dma_semaphore, #tpu.memory_space<semaphore_mem>>
        %dma_start3A_678 = tpu.memref_squeeze %dma_start3A_677 : memref<1x!tpu.dma_semaphore, #tpu.memory_space<semaphore_mem>> -> memref<!tpu.dma_semaphore, #tpu.memory_space<semaphore_mem>>
        tpu.enqueue_indirect_dma source(%dma_start3A_676 : memref<1000000x64xf32, #tpu.memory_space<hbm>>) target(%dma_start3A_670 : memref<128x64xf32, #tpu.memory_space<vmem>>) offsets(%dma_start3A_673 : memref<128xi32, #tpu.memory_space<vmem>>) semaphore(%dma_start3A_678 : memref<!tpu.dma_semaphore, #tpu.memory_space<semaphore_mem>>)
      } else {
      }
      %add3A_315 = arith.constant 1 : i32
      %add3A_316 = arith.addi %add3A_273, %add3A_315 : i32
      %dma_wait3A_317 = arith.constant 1 : i32
      %dma_wait3A_318 = arith.constant 1 : i32
      %dma_wait3A_319 = arith.constant 0 : i32
      %dma_wait3A_320 = arith.constant 0 : i32
      %dma_wait3A_321 = tpu.memref_slice %arg6[%dma_wait3A_317, %dma_wait3A_319, %dma_wait3A_320] : memref<8x128x64xf32, #tpu.memory_space<vmem>> -> memref<1x128x64xf32, #tpu.memory_space<vmem>>
      %dma_wait3A_322 = tpu.memref_squeeze %dma_wait3A_321 : memref<1x128x64xf32, #tpu.memory_space<vmem>> -> memref<128x64xf32, #tpu.memory_space<vmem>>
      %dma_wait3A_323 = arith.constant 0 : i32
      %dma_wait3A_324 = tpu.memref_slice %arg5[%add3A_316, %dma_wait3A_323] : memref<200x128xi32, #tpu.memory_space<vmem>> -> memref<1x128xi32, #tpu.memory_space<vmem>>
      %dma_wait3A_325 = tpu.memref_squeeze %dma_wait3A_324 : memref<1x128xi32, #tpu.memory_space<vmem>> -> memref<128xi32, #tpu.memory_space<vmem>>
      %dma_wait3A_326 = arith.constant 0 : i32
      %dma_wait3A_327 = arith.constant 0 : i32
      %dma_wait3A_328 = tpu.memref_slice %arg3[%dma_wait3A_326, %dma_wait3A_327] : memref<1000000x64xf32, #tpu.memory_space<hbm>> -> memref<1000000x64xf32, #tpu.memory_space<hbm>>
      %dma_wait3A_329 = tpu.memref_slice %arg7[%dma_wait3A_318] : memref<8x!tpu.dma_semaphore, #tpu.memory_space<semaphore_mem>> -> memref<1x!tpu.dma_semaphore, #tpu.memory_space<semaphore_mem>>
      %dma_wait3A_330 = tpu.memref_squeeze %dma_wait3A_329 : memref<1x!tpu.dma_semaphore, #tpu.memory_space<semaphore_mem>> -> memref<!tpu.dma_semaphore, #tpu.memory_space<semaphore_mem>>
      tpu.wait_indirect_dma semaphore(%dma_wait3A_330 : memref<!tpu.dma_semaphore, #tpu.memory_space<semaphore_mem>>) src(%dma_wait3A_328 : memref<1000000x64xf32, #tpu.memory_space<hbm>>) dst(%dma_wait3A_322 : memref<128x64xf32, #tpu.memory_space<vmem>>)
      %mul3A_331 = arith.constant 128 : i32
      %mul3A_332 = arith.muli %add3A_316, %mul3A_331 : i32
      %add3A_333 = arith.addi %mul3A_2, %mul3A_332 : i32
      %dma_start3A_334 = arith.constant 1 : i32
      %dma_start3A_335 = arith.constant 1 : i32
      %dma_start3A_336 = arith.constant 0 : i32
      %dma_start3A_337 = arith.constant 0 : i32
      %dma_start3A_338 = tpu.memref_slice %arg6[%dma_start3A_334, %dma_start3A_336, %dma_start3A_337] : memref<8x128x64xf32, #tpu.memory_space<vmem>> -> memref<1x128x64xf32, #tpu.memory_space<vmem>>
      %dma_start3A_339 = tpu.memref_squeeze %dma_start3A_338 : memref<1x128x64xf32, #tpu.memory_space<vmem>> -> memref<128x64xf32, #tpu.memory_space<vmem>>
      %dma_start3A_340 = arith.constant 0 : i32
      %dma_start3A_341 = tpu.memref_slice %arg4[%add3A_333, %dma_start3A_340] : memref<819200x64xf32, #tpu.memory_space<hbm>> -> memref<128x64xf32, #tpu.memory_space<hbm>>
      %dma_start3A_342 = tpu.memref_slice %arg8[%dma_start3A_335] : memref<8x!tpu.dma_semaphore, #tpu.memory_space<semaphore_mem>> -> memref<1x!tpu.dma_semaphore, #tpu.memory_space<semaphore_mem>>
      %dma_start3A_343 = tpu.memref_squeeze %dma_start3A_342 : memref<1x!tpu.dma_semaphore, #tpu.memory_space<semaphore_mem>> -> memref<!tpu.dma_semaphore, #tpu.memory_space<semaphore_mem>>
      %dma_start3A_344 = arith.constant 0 : i32
      %dma_start3A_345 = tpu.memref_slice %arg4[%add3A_333, %dma_start3A_344] : memref<819200x64xf32, #tpu.memory_space<hbm>> -> memref<128x64xf32, #tpu.memory_space<hbm>>
      %dma_start3A_346 = arith.constant 0 : i32
      %dma_start3A_347 = arith.constant 0 : i32
      %dma_start3A_348 = tpu.memref_slice %arg6[%dma_start3A_334, %dma_start3A_346, %dma_start3A_347] : memref<8x128x64xf32, #tpu.memory_space<vmem>> -> memref<1x128x64xf32, #tpu.memory_space<vmem>>
      %dma_start3A_349 = tpu.memref_squeeze %dma_start3A_348 : memref<1x128x64xf32, #tpu.memory_space<vmem>> -> memref<128x64xf32, #tpu.memory_space<vmem>>
      tpu.enqueue_dma source(%dma_start3A_349 : memref<128x64xf32, #tpu.memory_space<vmem>>) target(%dma_start3A_345 : memref<128x64xf32, #tpu.memory_space<hbm>>) target_semaphore(%dma_start3A_343 : memref<!tpu.dma_semaphore, #tpu.memory_space<semaphore_mem>>)
      %sub3A_350 = arith.constant 4 : i32
      %sub3A_351 = arith.subi %add3A_316, %sub3A_350 : i32
      %ge3A_352 = arith.constant 0 : i32
      %ge3A_353 = arith.cmpi sge, %sub3A_351, %ge3A_352 : i32
      %add3A_354 = arith.constant 8 : i32
      %add3A_355 = arith.addi %sub3A_351, %add3A_354 : i32
      %lt3A_356 = arith.constant 200 : i32
      %lt3A_357 = arith.cmpi slt, %add3A_355, %lt3A_356 : i32
      %and3A_358 = arith.andi %ge3A_353, %lt3A_357 : i1
      %convert_element_type3A_359 = arith.extui %and3A_358 : i1 to i32
      %cond3A_360 = arith.constant 0 : i32
      %cond3A_361 = arith.cmpi ne, %convert_element_type3A_359, %cond3A_360 : i32
      scf.if %cond3A_361 {
        %mul3A_644 = arith.constant 128 : i32
        %mul3A_645 = arith.muli %sub3A_351, %mul3A_644 : i32
        %add3A_646 = arith.addi %mul3A_2, %mul3A_645 : i32
        %dma_wait3A_647 = arith.constant 5 : i32
        %dma_wait3A_648 = arith.constant 5 : i32
        %dma_wait3A_649 = arith.constant 0 : i32
        %dma_wait3A_650 = arith.constant 0 : i32
        %dma_wait3A_651 = tpu.memref_slice %arg6[%dma_wait3A_647, %dma_wait3A_649, %dma_wait3A_650] : memref<8x128x64xf32, #tpu.memory_space<vmem>> -> memref<1x128x64xf32, #tpu.memory_space<vmem>>
        %dma_wait3A_652 = tpu.memref_squeeze %dma_wait3A_651 : memref<1x128x64xf32, #tpu.memory_space<vmem>> -> memref<128x64xf32, #tpu.memory_space<vmem>>
        %dma_wait3A_653 = arith.constant 0 : i32
        %dma_wait3A_654 = tpu.memref_slice %arg4[%add3A_646, %dma_wait3A_653] : memref<819200x64xf32, #tpu.memory_space<hbm>> -> memref<128x64xf32, #tpu.memory_space<hbm>>
        %dma_wait3A_655 = tpu.memref_slice %arg8[%dma_wait3A_648] : memref<8x!tpu.dma_semaphore, #tpu.memory_space<semaphore_mem>> -> memref<1x!tpu.dma_semaphore, #tpu.memory_space<semaphore_mem>>
        %dma_wait3A_656 = tpu.memref_squeeze %dma_wait3A_655 : memref<1x!tpu.dma_semaphore, #tpu.memory_space<semaphore_mem>> -> memref<!tpu.dma_semaphore, #tpu.memory_space<semaphore_mem>>
        %dma_wait3A_657 = arith.constant 0 : i32
        %dma_wait3A_658 = tpu.memref_slice %arg4[%add3A_646, %dma_wait3A_657] : memref<819200x64xf32, #tpu.memory_space<hbm>> -> memref<128x64xf32, #tpu.memory_space<hbm>>
        %dma_wait3A_659 = arith.constant 0 : i32
        %dma_wait3A_660 = arith.constant 0 : i32
        %dma_wait3A_661 = tpu.memref_slice %arg6[%dma_wait3A_647, %dma_wait3A_659, %dma_wait3A_660] : memref<8x128x64xf32, #tpu.memory_space<vmem>> -> memref<1x128x64xf32, #tpu.memory_space<vmem>>
        %dma_wait3A_662 = tpu.memref_squeeze %dma_wait3A_661 : memref<1x128x64xf32, #tpu.memory_space<vmem>> -> memref<128x64xf32, #tpu.memory_space<vmem>>
        tpu.wait_dma2 semaphore(%dma_wait3A_656 : memref<!tpu.dma_semaphore, #tpu.memory_space<semaphore_mem>>) src(%dma_wait3A_662 : memref<128x64xf32, #tpu.memory_space<vmem>>) dst(%dma_wait3A_658 : memref<128x64xf32, #tpu.memory_space<hbm>>)
        %add3A_663 = arith.constant 8 : i32
        %add3A_664 = arith.addi %sub3A_351, %add3A_663 : i32
        %dma_start3A_665 = arith.constant 5 : i32
        %dma_start3A_666 = arith.constant 5 : i32
        %dma_start3A_667 = arith.constant 0 : i32
        %dma_start3A_668 = arith.constant 0 : i32
        %dma_start3A_669 = tpu.memref_slice %arg6[%dma_start3A_665, %dma_start3A_667, %dma_start3A_668] : memref<8x128x64xf32, #tpu.memory_space<vmem>> -> memref<1x128x64xf32, #tpu.memory_space<vmem>>
        %dma_start3A_670 = tpu.memref_squeeze %dma_start3A_669 : memref<1x128x64xf32, #tpu.memory_space<vmem>> -> memref<128x64xf32, #tpu.memory_space<vmem>>
        %dma_start3A_671 = arith.constant 0 : i32
        %dma_start3A_672 = tpu.memref_slice %arg5[%add3A_664, %dma_start3A_671] : memref<200x128xi32, #tpu.memory_space<vmem>> -> memref<1x128xi32, #tpu.memory_space<vmem>>
        %dma_start3A_673 = tpu.memref_squeeze %dma_start3A_672 : memref<1x128xi32, #tpu.memory_space<vmem>> -> memref<128xi32, #tpu.memory_space<vmem>>
        %dma_start3A_674 = arith.constant 0 : i32
        %dma_start3A_675 = arith.constant 0 : i32
        %dma_start3A_676 = tpu.memref_slice %arg3[%dma_start3A_674, %dma_start3A_675] : memref<1000000x64xf32, #tpu.memory_space<hbm>> -> memref<1000000x64xf32, #tpu.memory_space<hbm>>
        %dma_start3A_677 = tpu.memref_slice %arg7[%dma_start3A_666] : memref<8x!tpu.dma_semaphore, #tpu.memory_space<semaphore_mem>> -> memref<1x!tpu.dma_semaphore, #tpu.memory_space<semaphore_mem>>
        %dma_start3A_678 = tpu.memref_squeeze %dma_start3A_677 : memref<1x!tpu.dma_semaphore, #tpu.memory_space<semaphore_mem>> -> memref<!tpu.dma_semaphore, #tpu.memory_space<semaphore_mem>>
        tpu.enqueue_indirect_dma source(%dma_start3A_676 : memref<1000000x64xf32, #tpu.memory_space<hbm>>) target(%dma_start3A_670 : memref<128x64xf32, #tpu.memory_space<vmem>>) offsets(%dma_start3A_673 : memref<128xi32, #tpu.memory_space<vmem>>) semaphore(%dma_start3A_678 : memref<!tpu.dma_semaphore, #tpu.memory_space<semaphore_mem>>)
      } else {
      }
      %add3A_362 = arith.constant 2 : i32
      %add3A_363 = arith.addi %add3A_273, %add3A_362 : i32
      %dma_wait3A_364 = arith.constant 2 : i32
      %dma_wait3A_365 = arith.constant 2 : i32
      %dma_wait3A_366 = arith.constant 0 : i32
      %dma_wait3A_367 = arith.constant 0 : i32
      %dma_wait3A_368 = tpu.memref_slice %arg6[%dma_wait3A_364, %dma_wait3A_366, %dma_wait3A_367] : memref<8x128x64xf32, #tpu.memory_space<vmem>> -> memref<1x128x64xf32, #tpu.memory_space<vmem>>
      %dma_wait3A_369 = tpu.memref_squeeze %dma_wait3A_368 : memref<1x128x64xf32, #tpu.memory_space<vmem>> -> memref<128x64xf32, #tpu.memory_space<vmem>>
      %dma_wait3A_370 = arith.constant 0 : i32
      %dma_wait3A_371 = tpu.memref_slice %arg5[%add3A_363, %dma_wait3A_370] : memref<200x128xi32, #tpu.memory_space<vmem>> -> memref<1x128xi32, #tpu.memory_space<vmem>>
      %dma_wait3A_372 = tpu.memref_squeeze %dma_wait3A_371 : memref<1x128xi32, #tpu.memory_space<vmem>> -> memref<128xi32, #tpu.memory_space<vmem>>
      %dma_wait3A_373 = arith.constant 0 : i32
      %dma_wait3A_374 = arith.constant 0 : i32
      %dma_wait3A_375 = tpu.memref_slice %arg3[%dma_wait3A_373, %dma_wait3A_374] : memref<1000000x64xf32, #tpu.memory_space<hbm>> -> memref<1000000x64xf32, #tpu.memory_space<hbm>>
      %dma_wait3A_376 = tpu.memref_slice %arg7[%dma_wait3A_365] : memref<8x!tpu.dma_semaphore, #tpu.memory_space<semaphore_mem>> -> memref<1x!tpu.dma_semaphore, #tpu.memory_space<semaphore_mem>>
      %dma_wait3A_377 = tpu.memref_squeeze %dma_wait3A_376 : memref<1x!tpu.dma_semaphore, #tpu.memory_space<semaphore_mem>> -> memref<!tpu.dma_semaphore, #tpu.memory_space<semaphore_mem>>
      tpu.wait_indirect_dma semaphore(%dma_wait3A_377 : memref<!tpu.dma_semaphore, #tpu.memory_space<semaphore_mem>>) src(%dma_wait3A_375 : memref<1000000x64xf32, #tpu.memory_space<hbm>>) dst(%dma_wait3A_369 : memref<128x64xf32, #tpu.memory_space<vmem>>)
      %mul3A_378 = arith.constant 128 : i32
      %mul3A_379 = arith.muli %add3A_363, %mul3A_378 : i32
      %add3A_380 = arith.addi %mul3A_2, %mul3A_379 : i32
      %dma_start3A_381 = arith.constant 2 : i32
      %dma_start3A_382 = arith.constant 2 : i32
      %dma_start3A_383 = arith.constant 0 : i32
      %dma_start3A_384 = arith.constant 0 : i32
      %dma_start3A_385 = tpu.memref_slice %arg6[%dma_start3A_381, %dma_start3A_383, %dma_start3A_384] : memref<8x128x64xf32, #tpu.memory_space<vmem>> -> memref<1x128x64xf32, #tpu.memory_space<vmem>>
      %dma_start3A_386 = tpu.memref_squeeze %dma_start3A_385 : memref<1x128x64xf32, #tpu.memory_space<vmem>> -> memref<128x64xf32, #tpu.memory_space<vmem>>
      %dma_start3A_387 = arith.constant 0 : i32
      %dma_start3A_388 = tpu.memref_slice %arg4[%add3A_380, %dma_start3A_387] : memref<819200x64xf32, #tpu.memory_space<hbm>> -> memref<128x64xf32, #tpu.memory_space<hbm>>
      %dma_start3A_389 = tpu.memref_slice %arg8[%dma_start3A_382] : memref<8x!tpu.dma_semaphore, #tpu.memory_space<semaphore_mem>> -> memref<1x!tpu.dma_semaphore, #tpu.memory_space<semaphore_mem>>
      %dma_start3A_390 = tpu.memref_squeeze %dma_start3A_389 : memref<1x!tpu.dma_semaphore, #tpu.memory_space<semaphore_mem>> -> memref<!tpu.dma_semaphore, #tpu.memory_space<semaphore_mem>>
      %dma_start3A_391 = arith.constant 0 : i32
      %dma_start3A_392 = tpu.memref_slice %arg4[%add3A_380, %dma_start3A_391] : memref<819200x64xf32, #tpu.memory_space<hbm>> -> memref<128x64xf32, #tpu.memory_space<hbm>>
      %dma_start3A_393 = arith.constant 0 : i32
      %dma_start3A_394 = arith.constant 0 : i32
      %dma_start3A_395 = tpu.memref_slice %arg6[%dma_start3A_381, %dma_start3A_393, %dma_start3A_394] : memref<8x128x64xf32, #tpu.memory_space<vmem>> -> memref<1x128x64xf32, #tpu.memory_space<vmem>>
      %dma_start3A_396 = tpu.memref_squeeze %dma_start3A_395 : memref<1x128x64xf32, #tpu.memory_space<vmem>> -> memref<128x64xf32, #tpu.memory_space<vmem>>
      tpu.enqueue_dma source(%dma_start3A_396 : memref<128x64xf32, #tpu.memory_space<vmem>>) target(%dma_start3A_392 : memref<128x64xf32, #tpu.memory_space<hbm>>) target_semaphore(%dma_start3A_390 : memref<!tpu.dma_semaphore, #tpu.memory_space<semaphore_mem>>)
      %sub3A_397 = arith.constant 4 : i32
      %sub3A_398 = arith.subi %add3A_363, %sub3A_397 : i32
      %ge3A_399 = arith.constant 0 : i32
      %ge3A_400 = arith.cmpi sge, %sub3A_398, %ge3A_399 : i32
      %add3A_401 = arith.constant 8 : i32
      %add3A_402 = arith.addi %sub3A_398, %add3A_401 : i32
      %lt3A_403 = arith.constant 200 : i32
      %lt3A_404 = arith.cmpi slt, %add3A_402, %lt3A_403 : i32
      %and3A_405 = arith.andi %ge3A_400, %lt3A_404 : i1
      %convert_element_type3A_406 = arith.extui %and3A_405 : i1 to i32
      %cond3A_407 = arith.constant 0 : i32
      %cond3A_408 = arith.cmpi ne, %convert_element_type3A_406, %cond3A_407 : i32
      scf.if %cond3A_408 {
        %mul3A_644 = arith.constant 128 : i32
        %mul3A_645 = arith.muli %sub3A_398, %mul3A_644 : i32
        %add3A_646 = arith.addi %mul3A_2, %mul3A_645 : i32
        %dma_wait3A_647 = arith.constant 6 : i32
        %dma_wait3A_648 = arith.constant 6 : i32
        %dma_wait3A_649 = arith.constant 0 : i32
        %dma_wait3A_650 = arith.constant 0 : i32
        %dma_wait3A_651 = tpu.memref_slice %arg6[%dma_wait3A_647, %dma_wait3A_649, %dma_wait3A_650] : memref<8x128x64xf32, #tpu.memory_space<vmem>> -> memref<1x128x64xf32, #tpu.memory_space<vmem>>
        %dma_wait3A_652 = tpu.memref_squeeze %dma_wait3A_651 : memref<1x128x64xf32, #tpu.memory_space<vmem>> -> memref<128x64xf32, #tpu.memory_space<vmem>>
        %dma_wait3A_653 = arith.constant 0 : i32
        %dma_wait3A_654 = tpu.memref_slice %arg4[%add3A_646, %dma_wait3A_653] : memref<819200x64xf32, #tpu.memory_space<hbm>> -> memref<128x64xf32, #tpu.memory_space<hbm>>
        %dma_wait3A_655 = tpu.memref_slice %arg8[%dma_wait3A_648] : memref<8x!tpu.dma_semaphore, #tpu.memory_space<semaphore_mem>> -> memref<1x!tpu.dma_semaphore, #tpu.memory_space<semaphore_mem>>
        %dma_wait3A_656 = tpu.memref_squeeze %dma_wait3A_655 : memref<1x!tpu.dma_semaphore, #tpu.memory_space<semaphore_mem>> -> memref<!tpu.dma_semaphore, #tpu.memory_space<semaphore_mem>>
        %dma_wait3A_657 = arith.constant 0 : i32
        %dma_wait3A_658 = tpu.memref_slice %arg4[%add3A_646, %dma_wait3A_657] : memref<819200x64xf32, #tpu.memory_space<hbm>> -> memref<128x64xf32, #tpu.memory_space<hbm>>
        %dma_wait3A_659 = arith.constant 0 : i32
        %dma_wait3A_660 = arith.constant 0 : i32
        %dma_wait3A_661 = tpu.memref_slice %arg6[%dma_wait3A_647, %dma_wait3A_659, %dma_wait3A_660] : memref<8x128x64xf32, #tpu.memory_space<vmem>> -> memref<1x128x64xf32, #tpu.memory_space<vmem>>
        %dma_wait3A_662 = tpu.memref_squeeze %dma_wait3A_661 : memref<1x128x64xf32, #tpu.memory_space<vmem>> -> memref<128x64xf32, #tpu.memory_space<vmem>>
        tpu.wait_dma2 semaphore(%dma_wait3A_656 : memref<!tpu.dma_semaphore, #tpu.memory_space<semaphore_mem>>) src(%dma_wait3A_662 : memref<128x64xf32, #tpu.memory_space<vmem>>) dst(%dma_wait3A_658 : memref<128x64xf32, #tpu.memory_space<hbm>>)
        %add3A_663 = arith.constant 8 : i32
        %add3A_664 = arith.addi %sub3A_398, %add3A_663 : i32
        %dma_start3A_665 = arith.constant 6 : i32
        %dma_start3A_666 = arith.constant 6 : i32
        %dma_start3A_667 = arith.constant 0 : i32
        %dma_start3A_668 = arith.constant 0 : i32
        %dma_start3A_669 = tpu.memref_slice %arg6[%dma_start3A_665, %dma_start3A_667, %dma_start3A_668] : memref<8x128x64xf32, #tpu.memory_space<vmem>> -> memref<1x128x64xf32, #tpu.memory_space<vmem>>
        %dma_start3A_670 = tpu.memref_squeeze %dma_start3A_669 : memref<1x128x64xf32, #tpu.memory_space<vmem>> -> memref<128x64xf32, #tpu.memory_space<vmem>>
        %dma_start3A_671 = arith.constant 0 : i32
        %dma_start3A_672 = tpu.memref_slice %arg5[%add3A_664, %dma_start3A_671] : memref<200x128xi32, #tpu.memory_space<vmem>> -> memref<1x128xi32, #tpu.memory_space<vmem>>
        %dma_start3A_673 = tpu.memref_squeeze %dma_start3A_672 : memref<1x128xi32, #tpu.memory_space<vmem>> -> memref<128xi32, #tpu.memory_space<vmem>>
        %dma_start3A_674 = arith.constant 0 : i32
        %dma_start3A_675 = arith.constant 0 : i32
        %dma_start3A_676 = tpu.memref_slice %arg3[%dma_start3A_674, %dma_start3A_675] : memref<1000000x64xf32, #tpu.memory_space<hbm>> -> memref<1000000x64xf32, #tpu.memory_space<hbm>>
        %dma_start3A_677 = tpu.memref_slice %arg7[%dma_start3A_666] : memref<8x!tpu.dma_semaphore, #tpu.memory_space<semaphore_mem>> -> memref<1x!tpu.dma_semaphore, #tpu.memory_space<semaphore_mem>>
        %dma_start3A_678 = tpu.memref_squeeze %dma_start3A_677 : memref<1x!tpu.dma_semaphore, #tpu.memory_space<semaphore_mem>> -> memref<!tpu.dma_semaphore, #tpu.memory_space<semaphore_mem>>
        tpu.enqueue_indirect_dma source(%dma_start3A_676 : memref<1000000x64xf32, #tpu.memory_space<hbm>>) target(%dma_start3A_670 : memref<128x64xf32, #tpu.memory_space<vmem>>) offsets(%dma_start3A_673 : memref<128xi32, #tpu.memory_space<vmem>>) semaphore(%dma_start3A_678 : memref<!tpu.dma_semaphore, #tpu.memory_space<semaphore_mem>>)
      } else {
      }
      %add3A_409 = arith.constant 3 : i32
      %add3A_410 = arith.addi %add3A_273, %add3A_409 : i32
      %dma_wait3A_411 = arith.constant 3 : i32
      %dma_wait3A_412 = arith.constant 3 : i32
      %dma_wait3A_413 = arith.constant 0 : i32
      %dma_wait3A_414 = arith.constant 0 : i32
      %dma_wait3A_415 = tpu.memref_slice %arg6[%dma_wait3A_411, %dma_wait3A_413, %dma_wait3A_414] : memref<8x128x64xf32, #tpu.memory_space<vmem>> -> memref<1x128x64xf32, #tpu.memory_space<vmem>>
      %dma_wait3A_416 = tpu.memref_squeeze %dma_wait3A_415 : memref<1x128x64xf32, #tpu.memory_space<vmem>> -> memref<128x64xf32, #tpu.memory_space<vmem>>
      %dma_wait3A_417 = arith.constant 0 : i32
      %dma_wait3A_418 = tpu.memref_slice %arg5[%add3A_410, %dma_wait3A_417] : memref<200x128xi32, #tpu.memory_space<vmem>> -> memref<1x128xi32, #tpu.memory_space<vmem>>
      %dma_wait3A_419 = tpu.memref_squeeze %dma_wait3A_418 : memref<1x128xi32, #tpu.memory_space<vmem>> -> memref<128xi32, #tpu.memory_space<vmem>>
      %dma_wait3A_420 = arith.constant 0 : i32
      %dma_wait3A_421 = arith.constant 0 : i32
      %dma_wait3A_422 = tpu.memref_slice %arg3[%dma_wait3A_420, %dma_wait3A_421] : memref<1000000x64xf32, #tpu.memory_space<hbm>> -> memref<1000000x64xf32, #tpu.memory_space<hbm>>
      %dma_wait3A_423 = tpu.memref_slice %arg7[%dma_wait3A_412] : memref<8x!tpu.dma_semaphore, #tpu.memory_space<semaphore_mem>> -> memref<1x!tpu.dma_semaphore, #tpu.memory_space<semaphore_mem>>
      %dma_wait3A_424 = tpu.memref_squeeze %dma_wait3A_423 : memref<1x!tpu.dma_semaphore, #tpu.memory_space<semaphore_mem>> -> memref<!tpu.dma_semaphore, #tpu.memory_space<semaphore_mem>>
      tpu.wait_indirect_dma semaphore(%dma_wait3A_424 : memref<!tpu.dma_semaphore, #tpu.memory_space<semaphore_mem>>) src(%dma_wait3A_422 : memref<1000000x64xf32, #tpu.memory_space<hbm>>) dst(%dma_wait3A_416 : memref<128x64xf32, #tpu.memory_space<vmem>>)
      %mul3A_425 = arith.constant 128 : i32
      %mul3A_426 = arith.muli %add3A_410, %mul3A_425 : i32
      %add3A_427 = arith.addi %mul3A_2, %mul3A_426 : i32
      %dma_start3A_428 = arith.constant 3 : i32
      %dma_start3A_429 = arith.constant 3 : i32
      %dma_start3A_430 = arith.constant 0 : i32
      %dma_start3A_431 = arith.constant 0 : i32
      %dma_start3A_432 = tpu.memref_slice %arg6[%dma_start3A_428, %dma_start3A_430, %dma_start3A_431] : memref<8x128x64xf32, #tpu.memory_space<vmem>> -> memref<1x128x64xf32, #tpu.memory_space<vmem>>
      %dma_start3A_433 = tpu.memref_squeeze %dma_start3A_432 : memref<1x128x64xf32, #tpu.memory_space<vmem>> -> memref<128x64xf32, #tpu.memory_space<vmem>>
      %dma_start3A_434 = arith.constant 0 : i32
      %dma_start3A_435 = tpu.memref_slice %arg4[%add3A_427, %dma_start3A_434] : memref<819200x64xf32, #tpu.memory_space<hbm>> -> memref<128x64xf32, #tpu.memory_space<hbm>>
      %dma_start3A_436 = tpu.memref_slice %arg8[%dma_start3A_429] : memref<8x!tpu.dma_semaphore, #tpu.memory_space<semaphore_mem>> -> memref<1x!tpu.dma_semaphore, #tpu.memory_space<semaphore_mem>>
      %dma_start3A_437 = tpu.memref_squeeze %dma_start3A_436 : memref<1x!tpu.dma_semaphore, #tpu.memory_space<semaphore_mem>> -> memref<!tpu.dma_semaphore, #tpu.memory_space<semaphore_mem>>
      %dma_start3A_438 = arith.constant 0 : i32
      %dma_start3A_439 = tpu.memref_slice %arg4[%add3A_427, %dma_start3A_438] : memref<819200x64xf32, #tpu.memory_space<hbm>> -> memref<128x64xf32, #tpu.memory_space<hbm>>
      %dma_start3A_440 = arith.constant 0 : i32
      %dma_start3A_441 = arith.constant 0 : i32
      %dma_start3A_442 = tpu.memref_slice %arg6[%dma_start3A_428, %dma_start3A_440, %dma_start3A_441] : memref<8x128x64xf32, #tpu.memory_space<vmem>> -> memref<1x128x64xf32, #tpu.memory_space<vmem>>
      %dma_start3A_443 = tpu.memref_squeeze %dma_start3A_442 : memref<1x128x64xf32, #tpu.memory_space<vmem>> -> memref<128x64xf32, #tpu.memory_space<vmem>>
      tpu.enqueue_dma source(%dma_start3A_443 : memref<128x64xf32, #tpu.memory_space<vmem>>) target(%dma_start3A_439 : memref<128x64xf32, #tpu.memory_space<hbm>>) target_semaphore(%dma_start3A_437 : memref<!tpu.dma_semaphore, #tpu.memory_space<semaphore_mem>>)
      %sub3A_444 = arith.constant 4 : i32
      %sub3A_445 = arith.subi %add3A_410, %sub3A_444 : i32
      %ge3A_446 = arith.constant 0 : i32
      %ge3A_447 = arith.cmpi sge, %sub3A_445, %ge3A_446 : i32
      %add3A_448 = arith.constant 8 : i32
      %add3A_449 = arith.addi %sub3A_445, %add3A_448 : i32
      %lt3A_450 = arith.constant 200 : i32
      %lt3A_451 = arith.cmpi slt, %add3A_449, %lt3A_450 : i32
      %and3A_452 = arith.andi %ge3A_447, %lt3A_451 : i1
      %convert_element_type3A_453 = arith.extui %and3A_452 : i1 to i32
      %cond3A_454 = arith.constant 0 : i32
      %cond3A_455 = arith.cmpi ne, %convert_element_type3A_453, %cond3A_454 : i32
      scf.if %cond3A_455 {
        %mul3A_644 = arith.constant 128 : i32
        %mul3A_645 = arith.muli %sub3A_445, %mul3A_644 : i32
        %add3A_646 = arith.addi %mul3A_2, %mul3A_645 : i32
        %dma_wait3A_647 = arith.constant 7 : i32
        %dma_wait3A_648 = arith.constant 7 : i32
        %dma_wait3A_649 = arith.constant 0 : i32
        %dma_wait3A_650 = arith.constant 0 : i32
        %dma_wait3A_651 = tpu.memref_slice %arg6[%dma_wait3A_647, %dma_wait3A_649, %dma_wait3A_650] : memref<8x128x64xf32, #tpu.memory_space<vmem>> -> memref<1x128x64xf32, #tpu.memory_space<vmem>>
        %dma_wait3A_652 = tpu.memref_squeeze %dma_wait3A_651 : memref<1x128x64xf32, #tpu.memory_space<vmem>> -> memref<128x64xf32, #tpu.memory_space<vmem>>
        %dma_wait3A_653 = arith.constant 0 : i32
        %dma_wait3A_654 = tpu.memref_slice %arg4[%add3A_646, %dma_wait3A_653] : memref<819200x64xf32, #tpu.memory_space<hbm>> -> memref<128x64xf32, #tpu.memory_space<hbm>>
        %dma_wait3A_655 = tpu.memref_slice %arg8[%dma_wait3A_648] : memref<8x!tpu.dma_semaphore, #tpu.memory_space<semaphore_mem>> -> memref<1x!tpu.dma_semaphore, #tpu.memory_space<semaphore_mem>>
        %dma_wait3A_656 = tpu.memref_squeeze %dma_wait3A_655 : memref<1x!tpu.dma_semaphore, #tpu.memory_space<semaphore_mem>> -> memref<!tpu.dma_semaphore, #tpu.memory_space<semaphore_mem>>
        %dma_wait3A_657 = arith.constant 0 : i32
        %dma_wait3A_658 = tpu.memref_slice %arg4[%add3A_646, %dma_wait3A_657] : memref<819200x64xf32, #tpu.memory_space<hbm>> -> memref<128x64xf32, #tpu.memory_space<hbm>>
        %dma_wait3A_659 = arith.constant 0 : i32
        %dma_wait3A_660 = arith.constant 0 : i32
        %dma_wait3A_661 = tpu.memref_slice %arg6[%dma_wait3A_647, %dma_wait3A_659, %dma_wait3A_660] : memref<8x128x64xf32, #tpu.memory_space<vmem>> -> memref<1x128x64xf32, #tpu.memory_space<vmem>>
        %dma_wait3A_662 = tpu.memref_squeeze %dma_wait3A_661 : memref<1x128x64xf32, #tpu.memory_space<vmem>> -> memref<128x64xf32, #tpu.memory_space<vmem>>
        tpu.wait_dma2 semaphore(%dma_wait3A_656 : memref<!tpu.dma_semaphore, #tpu.memory_space<semaphore_mem>>) src(%dma_wait3A_662 : memref<128x64xf32, #tpu.memory_space<vmem>>) dst(%dma_wait3A_658 : memref<128x64xf32, #tpu.memory_space<hbm>>)
        %add3A_663 = arith.constant 8 : i32
        %add3A_664 = arith.addi %sub3A_445, %add3A_663 : i32
        %dma_start3A_665 = arith.constant 7 : i32
        %dma_start3A_666 = arith.constant 7 : i32
        %dma_start3A_667 = arith.constant 0 : i32
        %dma_start3A_668 = arith.constant 0 : i32
        %dma_start3A_669 = tpu.memref_slice %arg6[%dma_start3A_665, %dma_start3A_667, %dma_start3A_668] : memref<8x128x64xf32, #tpu.memory_space<vmem>> -> memref<1x128x64xf32, #tpu.memory_space<vmem>>
        %dma_start3A_670 = tpu.memref_squeeze %dma_start3A_669 : memref<1x128x64xf32, #tpu.memory_space<vmem>> -> memref<128x64xf32, #tpu.memory_space<vmem>>
        %dma_start3A_671 = arith.constant 0 : i32
        %dma_start3A_672 = tpu.memref_slice %arg5[%add3A_664, %dma_start3A_671] : memref<200x128xi32, #tpu.memory_space<vmem>> -> memref<1x128xi32, #tpu.memory_space<vmem>>
        %dma_start3A_673 = tpu.memref_squeeze %dma_start3A_672 : memref<1x128xi32, #tpu.memory_space<vmem>> -> memref<128xi32, #tpu.memory_space<vmem>>
        %dma_start3A_674 = arith.constant 0 : i32
        %dma_start3A_675 = arith.constant 0 : i32
        %dma_start3A_676 = tpu.memref_slice %arg3[%dma_start3A_674, %dma_start3A_675] : memref<1000000x64xf32, #tpu.memory_space<hbm>> -> memref<1000000x64xf32, #tpu.memory_space<hbm>>
        %dma_start3A_677 = tpu.memref_slice %arg7[%dma_start3A_666] : memref<8x!tpu.dma_semaphore, #tpu.memory_space<semaphore_mem>> -> memref<1x!tpu.dma_semaphore, #tpu.memory_space<semaphore_mem>>
        %dma_start3A_678 = tpu.memref_squeeze %dma_start3A_677 : memref<1x!tpu.dma_semaphore, #tpu.memory_space<semaphore_mem>> -> memref<!tpu.dma_semaphore, #tpu.memory_space<semaphore_mem>>
        tpu.enqueue_indirect_dma source(%dma_start3A_676 : memref<1000000x64xf32, #tpu.memory_space<hbm>>) target(%dma_start3A_670 : memref<128x64xf32, #tpu.memory_space<vmem>>) offsets(%dma_start3A_673 : memref<128xi32, #tpu.memory_space<vmem>>) semaphore(%dma_start3A_678 : memref<!tpu.dma_semaphore, #tpu.memory_space<semaphore_mem>>)
      } else {
      }
      %add3A_456 = arith.constant 4 : i32
      %add3A_457 = arith.addi %add3A_273, %add3A_456 : i32
      %dma_wait3A_458 = arith.constant 4 : i32
      %dma_wait3A_459 = arith.constant 4 : i32
      %dma_wait3A_460 = arith.constant 0 : i32
      %dma_wait3A_461 = arith.constant 0 : i32
      %dma_wait3A_462 = tpu.memref_slice %arg6[%dma_wait3A_458, %dma_wait3A_460, %dma_wait3A_461] : memref<8x128x64xf32, #tpu.memory_space<vmem>> -> memref<1x128x64xf32, #tpu.memory_space<vmem>>
      %dma_wait3A_463 = tpu.memref_squeeze %dma_wait3A_462 : memref<1x128x64xf32, #tpu.memory_space<vmem>> -> memref<128x64xf32, #tpu.memory_space<vmem>>
      %dma_wait3A_464 = arith.constant 0 : i32
      %dma_wait3A_465 = tpu.memref_slice %arg5[%add3A_457, %dma_wait3A_464] : memref<200x128xi32, #tpu.memory_space<vmem>> -> memref<1x128xi32, #tpu.memory_space<vmem>>
      %dma_wait3A_466 = tpu.memref_squeeze %dma_wait3A_465 : memref<1x128xi32, #tpu.memory_space<vmem>> -> memref<128xi32, #tpu.memory_space<vmem>>
      %dma_wait3A_467 = arith.constant 0 : i32
      %dma_wait3A_468 = arith.constant 0 : i32
      %dma_wait3A_469 = tpu.memref_slice %arg3[%dma_wait3A_467, %dma_wait3A_468] : memref<1000000x64xf32, #tpu.memory_space<hbm>> -> memref<1000000x64xf32, #tpu.memory_space<hbm>>
      %dma_wait3A_470 = tpu.memref_slice %arg7[%dma_wait3A_459] : memref<8x!tpu.dma_semaphore, #tpu.memory_space<semaphore_mem>> -> memref<1x!tpu.dma_semaphore, #tpu.memory_space<semaphore_mem>>
      %dma_wait3A_471 = tpu.memref_squeeze %dma_wait3A_470 : memref<1x!tpu.dma_semaphore, #tpu.memory_space<semaphore_mem>> -> memref<!tpu.dma_semaphore, #tpu.memory_space<semaphore_mem>>
      tpu.wait_indirect_dma semaphore(%dma_wait3A_471 : memref<!tpu.dma_semaphore, #tpu.memory_space<semaphore_mem>>) src(%dma_wait3A_469 : memref<1000000x64xf32, #tpu.memory_space<hbm>>) dst(%dma_wait3A_463 : memref<128x64xf32, #tpu.memory_space<vmem>>)
      %mul3A_472 = arith.constant 128 : i32
      %mul3A_473 = arith.muli %add3A_457, %mul3A_472 : i32
      %add3A_474 = arith.addi %mul3A_2, %mul3A_473 : i32
      %dma_start3A_475 = arith.constant 4 : i32
      %dma_start3A_476 = arith.constant 4 : i32
      %dma_start3A_477 = arith.constant 0 : i32
      %dma_start3A_478 = arith.constant 0 : i32
      %dma_start3A_479 = tpu.memref_slice %arg6[%dma_start3A_475, %dma_start3A_477, %dma_start3A_478] : memref<8x128x64xf32, #tpu.memory_space<vmem>> -> memref<1x128x64xf32, #tpu.memory_space<vmem>>
      %dma_start3A_480 = tpu.memref_squeeze %dma_start3A_479 : memref<1x128x64xf32, #tpu.memory_space<vmem>> -> memref<128x64xf32, #tpu.memory_space<vmem>>
      %dma_start3A_481 = arith.constant 0 : i32
      %dma_start3A_482 = tpu.memref_slice %arg4[%add3A_474, %dma_start3A_481] : memref<819200x64xf32, #tpu.memory_space<hbm>> -> memref<128x64xf32, #tpu.memory_space<hbm>>
      %dma_start3A_483 = tpu.memref_slice %arg8[%dma_start3A_476] : memref<8x!tpu.dma_semaphore, #tpu.memory_space<semaphore_mem>> -> memref<1x!tpu.dma_semaphore, #tpu.memory_space<semaphore_mem>>
      %dma_start3A_484 = tpu.memref_squeeze %dma_start3A_483 : memref<1x!tpu.dma_semaphore, #tpu.memory_space<semaphore_mem>> -> memref<!tpu.dma_semaphore, #tpu.memory_space<semaphore_mem>>
      %dma_start3A_485 = arith.constant 0 : i32
      %dma_start3A_486 = tpu.memref_slice %arg4[%add3A_474, %dma_start3A_485] : memref<819200x64xf32, #tpu.memory_space<hbm>> -> memref<128x64xf32, #tpu.memory_space<hbm>>
      %dma_start3A_487 = arith.constant 0 : i32
      %dma_start3A_488 = arith.constant 0 : i32
      %dma_start3A_489 = tpu.memref_slice %arg6[%dma_start3A_475, %dma_start3A_487, %dma_start3A_488] : memref<8x128x64xf32, #tpu.memory_space<vmem>> -> memref<1x128x64xf32, #tpu.memory_space<vmem>>
      %dma_start3A_490 = tpu.memref_squeeze %dma_start3A_489 : memref<1x128x64xf32, #tpu.memory_space<vmem>> -> memref<128x64xf32, #tpu.memory_space<vmem>>
      tpu.enqueue_dma source(%dma_start3A_490 : memref<128x64xf32, #tpu.memory_space<vmem>>) target(%dma_start3A_486 : memref<128x64xf32, #tpu.memory_space<hbm>>) target_semaphore(%dma_start3A_484 : memref<!tpu.dma_semaphore, #tpu.memory_space<semaphore_mem>>)
      %sub3A_491 = arith.constant 4 : i32
      %sub3A_492 = arith.subi %add3A_457, %sub3A_491 : i32
      %ge3A_493 = arith.constant 0 : i32
      %ge3A_494 = arith.cmpi sge, %sub3A_492, %ge3A_493 : i32
      %add3A_495 = arith.constant 8 : i32
      %add3A_496 = arith.addi %sub3A_492, %add3A_495 : i32
      %lt3A_497 = arith.constant 200 : i32
      %lt3A_498 = arith.cmpi slt, %add3A_496, %lt3A_497 : i32
      %and3A_499 = arith.andi %ge3A_494, %lt3A_498 : i1
      %convert_element_type3A_500 = arith.extui %and3A_499 : i1 to i32
      %cond3A_501 = arith.constant 0 : i32
      %cond3A_502 = arith.cmpi ne, %convert_element_type3A_500, %cond3A_501 : i32
      scf.if %cond3A_502 {
        %mul3A_644 = arith.constant 128 : i32
        %mul3A_645 = arith.muli %sub3A_492, %mul3A_644 : i32
        %add3A_646 = arith.addi %mul3A_2, %mul3A_645 : i32
        %dma_wait3A_647 = arith.constant 0 : i32
        %dma_wait3A_648 = arith.constant 0 : i32
        %dma_wait3A_649 = arith.constant 0 : i32
        %dma_wait3A_650 = arith.constant 0 : i32
        %dma_wait3A_651 = tpu.memref_slice %arg6[%dma_wait3A_647, %dma_wait3A_649, %dma_wait3A_650] : memref<8x128x64xf32, #tpu.memory_space<vmem>> -> memref<1x128x64xf32, #tpu.memory_space<vmem>>
        %dma_wait3A_652 = tpu.memref_squeeze %dma_wait3A_651 : memref<1x128x64xf32, #tpu.memory_space<vmem>> -> memref<128x64xf32, #tpu.memory_space<vmem>>
        %dma_wait3A_653 = arith.constant 0 : i32
        %dma_wait3A_654 = tpu.memref_slice %arg4[%add3A_646, %dma_wait3A_653] : memref<819200x64xf32, #tpu.memory_space<hbm>> -> memref<128x64xf32, #tpu.memory_space<hbm>>
        %dma_wait3A_655 = tpu.memref_slice %arg8[%dma_wait3A_648] : memref<8x!tpu.dma_semaphore, #tpu.memory_space<semaphore_mem>> -> memref<1x!tpu.dma_semaphore, #tpu.memory_space<semaphore_mem>>
        %dma_wait3A_656 = tpu.memref_squeeze %dma_wait3A_655 : memref<1x!tpu.dma_semaphore, #tpu.memory_space<semaphore_mem>> -> memref<!tpu.dma_semaphore, #tpu.memory_space<semaphore_mem>>
        %dma_wait3A_657 = arith.constant 0 : i32
        %dma_wait3A_658 = tpu.memref_slice %arg4[%add3A_646, %dma_wait3A_657] : memref<819200x64xf32, #tpu.memory_space<hbm>> -> memref<128x64xf32, #tpu.memory_space<hbm>>
        %dma_wait3A_659 = arith.constant 0 : i32
        %dma_wait3A_660 = arith.constant 0 : i32
        %dma_wait3A_661 = tpu.memref_slice %arg6[%dma_wait3A_647, %dma_wait3A_659, %dma_wait3A_660] : memref<8x128x64xf32, #tpu.memory_space<vmem>> -> memref<1x128x64xf32, #tpu.memory_space<vmem>>
        %dma_wait3A_662 = tpu.memref_squeeze %dma_wait3A_661 : memref<1x128x64xf32, #tpu.memory_space<vmem>> -> memref<128x64xf32, #tpu.memory_space<vmem>>
        tpu.wait_dma2 semaphore(%dma_wait3A_656 : memref<!tpu.dma_semaphore, #tpu.memory_space<semaphore_mem>>) src(%dma_wait3A_662 : memref<128x64xf32, #tpu.memory_space<vmem>>) dst(%dma_wait3A_658 : memref<128x64xf32, #tpu.memory_space<hbm>>)
        %add3A_663 = arith.constant 8 : i32
        %add3A_664 = arith.addi %sub3A_492, %add3A_663 : i32
        %dma_start3A_665 = arith.constant 0 : i32
        %dma_start3A_666 = arith.constant 0 : i32
        %dma_start3A_667 = arith.constant 0 : i32
        %dma_start3A_668 = arith.constant 0 : i32
        %dma_start3A_669 = tpu.memref_slice %arg6[%dma_start3A_665, %dma_start3A_667, %dma_start3A_668] : memref<8x128x64xf32, #tpu.memory_space<vmem>> -> memref<1x128x64xf32, #tpu.memory_space<vmem>>
        %dma_start3A_670 = tpu.memref_squeeze %dma_start3A_669 : memref<1x128x64xf32, #tpu.memory_space<vmem>> -> memref<128x64xf32, #tpu.memory_space<vmem>>
        %dma_start3A_671 = arith.constant 0 : i32
        %dma_start3A_672 = tpu.memref_slice %arg5[%add3A_664, %dma_start3A_671] : memref<200x128xi32, #tpu.memory_space<vmem>> -> memref<1x128xi32, #tpu.memory_space<vmem>>
        %dma_start3A_673 = tpu.memref_squeeze %dma_start3A_672 : memref<1x128xi32, #tpu.memory_space<vmem>> -> memref<128xi32, #tpu.memory_space<vmem>>
        %dma_start3A_674 = arith.constant 0 : i32
        %dma_start3A_675 = arith.constant 0 : i32
        %dma_start3A_676 = tpu.memref_slice %arg3[%dma_start3A_674, %dma_start3A_675] : memref<1000000x64xf32, #tpu.memory_space<hbm>> -> memref<1000000x64xf32, #tpu.memory_space<hbm>>
        %dma_start3A_677 = tpu.memref_slice %arg7[%dma_start3A_666] : memref<8x!tpu.dma_semaphore, #tpu.memory_space<semaphore_mem>> -> memref<1x!tpu.dma_semaphore, #tpu.memory_space<semaphore_mem>>
        %dma_start3A_678 = tpu.memref_squeeze %dma_start3A_677 : memref<1x!tpu.dma_semaphore, #tpu.memory_space<semaphore_mem>> -> memref<!tpu.dma_semaphore, #tpu.memory_space<semaphore_mem>>
        tpu.enqueue_indirect_dma source(%dma_start3A_676 : memref<1000000x64xf32, #tpu.memory_space<hbm>>) target(%dma_start3A_670 : memref<128x64xf32, #tpu.memory_space<vmem>>) offsets(%dma_start3A_673 : memref<128xi32, #tpu.memory_space<vmem>>) semaphore(%dma_start3A_678 : memref<!tpu.dma_semaphore, #tpu.memory_space<semaphore_mem>>)
      } else {
      }
      %add3A_503 = arith.constant 5 : i32
      %add3A_504 = arith.addi %add3A_273, %add3A_503 : i32
      %dma_wait3A_505 = arith.constant 5 : i32
      %dma_wait3A_506 = arith.constant 5 : i32
      %dma_wait3A_507 = arith.constant 0 : i32
      %dma_wait3A_508 = arith.constant 0 : i32
      %dma_wait3A_509 = tpu.memref_slice %arg6[%dma_wait3A_505, %dma_wait3A_507, %dma_wait3A_508] : memref<8x128x64xf32, #tpu.memory_space<vmem>> -> memref<1x128x64xf32, #tpu.memory_space<vmem>>
      %dma_wait3A_510 = tpu.memref_squeeze %dma_wait3A_509 : memref<1x128x64xf32, #tpu.memory_space<vmem>> -> memref<128x64xf32, #tpu.memory_space<vmem>>
      %dma_wait3A_511 = arith.constant 0 : i32
      %dma_wait3A_512 = tpu.memref_slice %arg5[%add3A_504, %dma_wait3A_511] : memref<200x128xi32, #tpu.memory_space<vmem>> -> memref<1x128xi32, #tpu.memory_space<vmem>>
      %dma_wait3A_513 = tpu.memref_squeeze %dma_wait3A_512 : memref<1x128xi32, #tpu.memory_space<vmem>> -> memref<128xi32, #tpu.memory_space<vmem>>
      %dma_wait3A_514 = arith.constant 0 : i32
      %dma_wait3A_515 = arith.constant 0 : i32
      %dma_wait3A_516 = tpu.memref_slice %arg3[%dma_wait3A_514, %dma_wait3A_515] : memref<1000000x64xf32, #tpu.memory_space<hbm>> -> memref<1000000x64xf32, #tpu.memory_space<hbm>>
      %dma_wait3A_517 = tpu.memref_slice %arg7[%dma_wait3A_506] : memref<8x!tpu.dma_semaphore, #tpu.memory_space<semaphore_mem>> -> memref<1x!tpu.dma_semaphore, #tpu.memory_space<semaphore_mem>>
      %dma_wait3A_518 = tpu.memref_squeeze %dma_wait3A_517 : memref<1x!tpu.dma_semaphore, #tpu.memory_space<semaphore_mem>> -> memref<!tpu.dma_semaphore, #tpu.memory_space<semaphore_mem>>
      tpu.wait_indirect_dma semaphore(%dma_wait3A_518 : memref<!tpu.dma_semaphore, #tpu.memory_space<semaphore_mem>>) src(%dma_wait3A_516 : memref<1000000x64xf32, #tpu.memory_space<hbm>>) dst(%dma_wait3A_510 : memref<128x64xf32, #tpu.memory_space<vmem>>)
      %mul3A_519 = arith.constant 128 : i32
      %mul3A_520 = arith.muli %add3A_504, %mul3A_519 : i32
      %add3A_521 = arith.addi %mul3A_2, %mul3A_520 : i32
      %dma_start3A_522 = arith.constant 5 : i32
      %dma_start3A_523 = arith.constant 5 : i32
      %dma_start3A_524 = arith.constant 0 : i32
      %dma_start3A_525 = arith.constant 0 : i32
      %dma_start3A_526 = tpu.memref_slice %arg6[%dma_start3A_522, %dma_start3A_524, %dma_start3A_525] : memref<8x128x64xf32, #tpu.memory_space<vmem>> -> memref<1x128x64xf32, #tpu.memory_space<vmem>>
      %dma_start3A_527 = tpu.memref_squeeze %dma_start3A_526 : memref<1x128x64xf32, #tpu.memory_space<vmem>> -> memref<128x64xf32, #tpu.memory_space<vmem>>
      %dma_start3A_528 = arith.constant 0 : i32
      %dma_start3A_529 = tpu.memref_slice %arg4[%add3A_521, %dma_start3A_528] : memref<819200x64xf32, #tpu.memory_space<hbm>> -> memref<128x64xf32, #tpu.memory_space<hbm>>
      %dma_start3A_530 = tpu.memref_slice %arg8[%dma_start3A_523] : memref<8x!tpu.dma_semaphore, #tpu.memory_space<semaphore_mem>> -> memref<1x!tpu.dma_semaphore, #tpu.memory_space<semaphore_mem>>
      %dma_start3A_531 = tpu.memref_squeeze %dma_start3A_530 : memref<1x!tpu.dma_semaphore, #tpu.memory_space<semaphore_mem>> -> memref<!tpu.dma_semaphore, #tpu.memory_space<semaphore_mem>>
      %dma_start3A_532 = arith.constant 0 : i32
      %dma_start3A_533 = tpu.memref_slice %arg4[%add3A_521, %dma_start3A_532] : memref<819200x64xf32, #tpu.memory_space<hbm>> -> memref<128x64xf32, #tpu.memory_space<hbm>>
      %dma_start3A_534 = arith.constant 0 : i32
      %dma_start3A_535 = arith.constant 0 : i32
      %dma_start3A_536 = tpu.memref_slice %arg6[%dma_start3A_522, %dma_start3A_534, %dma_start3A_535] : memref<8x128x64xf32, #tpu.memory_space<vmem>> -> memref<1x128x64xf32, #tpu.memory_space<vmem>>
      %dma_start3A_537 = tpu.memref_squeeze %dma_start3A_536 : memref<1x128x64xf32, #tpu.memory_space<vmem>> -> memref<128x64xf32, #tpu.memory_space<vmem>>
      tpu.enqueue_dma source(%dma_start3A_537 : memref<128x64xf32, #tpu.memory_space<vmem>>) target(%dma_start3A_533 : memref<128x64xf32, #tpu.memory_space<hbm>>) target_semaphore(%dma_start3A_531 : memref<!tpu.dma_semaphore, #tpu.memory_space<semaphore_mem>>)
      %sub3A_538 = arith.constant 4 : i32
      %sub3A_539 = arith.subi %add3A_504, %sub3A_538 : i32
      %ge3A_540 = arith.constant 0 : i32
      %ge3A_541 = arith.cmpi sge, %sub3A_539, %ge3A_540 : i32
      %add3A_542 = arith.constant 8 : i32
      %add3A_543 = arith.addi %sub3A_539, %add3A_542 : i32
      %lt3A_544 = arith.constant 200 : i32
      %lt3A_545 = arith.cmpi slt, %add3A_543, %lt3A_544 : i32
      %and3A_546 = arith.andi %ge3A_541, %lt3A_545 : i1
      %convert_element_type3A_547 = arith.extui %and3A_546 : i1 to i32
      %cond3A_548 = arith.constant 0 : i32
      %cond3A_549 = arith.cmpi ne, %convert_element_type3A_547, %cond3A_548 : i32
      scf.if %cond3A_549 {
        %mul3A_644 = arith.constant 128 : i32
        %mul3A_645 = arith.muli %sub3A_539, %mul3A_644 : i32
        %add3A_646 = arith.addi %mul3A_2, %mul3A_645 : i32
        %dma_wait3A_647 = arith.constant 1 : i32
        %dma_wait3A_648 = arith.constant 1 : i32
        %dma_wait3A_649 = arith.constant 0 : i32
        %dma_wait3A_650 = arith.constant 0 : i32
        %dma_wait3A_651 = tpu.memref_slice %arg6[%dma_wait3A_647, %dma_wait3A_649, %dma_wait3A_650] : memref<8x128x64xf32, #tpu.memory_space<vmem>> -> memref<1x128x64xf32, #tpu.memory_space<vmem>>
        %dma_wait3A_652 = tpu.memref_squeeze %dma_wait3A_651 : memref<1x128x64xf32, #tpu.memory_space<vmem>> -> memref<128x64xf32, #tpu.memory_space<vmem>>
        %dma_wait3A_653 = arith.constant 0 : i32
        %dma_wait3A_654 = tpu.memref_slice %arg4[%add3A_646, %dma_wait3A_653] : memref<819200x64xf32, #tpu.memory_space<hbm>> -> memref<128x64xf32, #tpu.memory_space<hbm>>
        %dma_wait3A_655 = tpu.memref_slice %arg8[%dma_wait3A_648] : memref<8x!tpu.dma_semaphore, #tpu.memory_space<semaphore_mem>> -> memref<1x!tpu.dma_semaphore, #tpu.memory_space<semaphore_mem>>
        %dma_wait3A_656 = tpu.memref_squeeze %dma_wait3A_655 : memref<1x!tpu.dma_semaphore, #tpu.memory_space<semaphore_mem>> -> memref<!tpu.dma_semaphore, #tpu.memory_space<semaphore_mem>>
        %dma_wait3A_657 = arith.constant 0 : i32
        %dma_wait3A_658 = tpu.memref_slice %arg4[%add3A_646, %dma_wait3A_657] : memref<819200x64xf32, #tpu.memory_space<hbm>> -> memref<128x64xf32, #tpu.memory_space<hbm>>
        %dma_wait3A_659 = arith.constant 0 : i32
        %dma_wait3A_660 = arith.constant 0 : i32
        %dma_wait3A_661 = tpu.memref_slice %arg6[%dma_wait3A_647, %dma_wait3A_659, %dma_wait3A_660] : memref<8x128x64xf32, #tpu.memory_space<vmem>> -> memref<1x128x64xf32, #tpu.memory_space<vmem>>
        %dma_wait3A_662 = tpu.memref_squeeze %dma_wait3A_661 : memref<1x128x64xf32, #tpu.memory_space<vmem>> -> memref<128x64xf32, #tpu.memory_space<vmem>>
        tpu.wait_dma2 semaphore(%dma_wait3A_656 : memref<!tpu.dma_semaphore, #tpu.memory_space<semaphore_mem>>) src(%dma_wait3A_662 : memref<128x64xf32, #tpu.memory_space<vmem>>) dst(%dma_wait3A_658 : memref<128x64xf32, #tpu.memory_space<hbm>>)
        %add3A_663 = arith.constant 8 : i32
        %add3A_664 = arith.addi %sub3A_539, %add3A_663 : i32
        %dma_start3A_665 = arith.constant 1 : i32
        %dma_start3A_666 = arith.constant 1 : i32
        %dma_start3A_667 = arith.constant 0 : i32
        %dma_start3A_668 = arith.constant 0 : i32
        %dma_start3A_669 = tpu.memref_slice %arg6[%dma_start3A_665, %dma_start3A_667, %dma_start3A_668] : memref<8x128x64xf32, #tpu.memory_space<vmem>> -> memref<1x128x64xf32, #tpu.memory_space<vmem>>
        %dma_start3A_670 = tpu.memref_squeeze %dma_start3A_669 : memref<1x128x64xf32, #tpu.memory_space<vmem>> -> memref<128x64xf32, #tpu.memory_space<vmem>>
        %dma_start3A_671 = arith.constant 0 : i32
        %dma_start3A_672 = tpu.memref_slice %arg5[%add3A_664, %dma_start3A_671] : memref<200x128xi32, #tpu.memory_space<vmem>> -> memref<1x128xi32, #tpu.memory_space<vmem>>
        %dma_start3A_673 = tpu.memref_squeeze %dma_start3A_672 : memref<1x128xi32, #tpu.memory_space<vmem>> -> memref<128xi32, #tpu.memory_space<vmem>>
        %dma_start3A_674 = arith.constant 0 : i32
        %dma_start3A_675 = arith.constant 0 : i32
        %dma_start3A_676 = tpu.memref_slice %arg3[%dma_start3A_674, %dma_start3A_675] : memref<1000000x64xf32, #tpu.memory_space<hbm>> -> memref<1000000x64xf32, #tpu.memory_space<hbm>>
        %dma_start3A_677 = tpu.memref_slice %arg7[%dma_start3A_666] : memref<8x!tpu.dma_semaphore, #tpu.memory_space<semaphore_mem>> -> memref<1x!tpu.dma_semaphore, #tpu.memory_space<semaphore_mem>>
        %dma_start3A_678 = tpu.memref_squeeze %dma_start3A_677 : memref<1x!tpu.dma_semaphore, #tpu.memory_space<semaphore_mem>> -> memref<!tpu.dma_semaphore, #tpu.memory_space<semaphore_mem>>
        tpu.enqueue_indirect_dma source(%dma_start3A_676 : memref<1000000x64xf32, #tpu.memory_space<hbm>>) target(%dma_start3A_670 : memref<128x64xf32, #tpu.memory_space<vmem>>) offsets(%dma_start3A_673 : memref<128xi32, #tpu.memory_space<vmem>>) semaphore(%dma_start3A_678 : memref<!tpu.dma_semaphore, #tpu.memory_space<semaphore_mem>>)
      } else {
      }
      %add3A_550 = arith.constant 6 : i32
      %add3A_551 = arith.addi %add3A_273, %add3A_550 : i32
      %dma_wait3A_552 = arith.constant 6 : i32
      %dma_wait3A_553 = arith.constant 6 : i32
      %dma_wait3A_554 = arith.constant 0 : i32
      %dma_wait3A_555 = arith.constant 0 : i32
      %dma_wait3A_556 = tpu.memref_slice %arg6[%dma_wait3A_552, %dma_wait3A_554, %dma_wait3A_555] : memref<8x128x64xf32, #tpu.memory_space<vmem>> -> memref<1x128x64xf32, #tpu.memory_space<vmem>>
      %dma_wait3A_557 = tpu.memref_squeeze %dma_wait3A_556 : memref<1x128x64xf32, #tpu.memory_space<vmem>> -> memref<128x64xf32, #tpu.memory_space<vmem>>
      %dma_wait3A_558 = arith.constant 0 : i32
      %dma_wait3A_559 = tpu.memref_slice %arg5[%add3A_551, %dma_wait3A_558] : memref<200x128xi32, #tpu.memory_space<vmem>> -> memref<1x128xi32, #tpu.memory_space<vmem>>
      %dma_wait3A_560 = tpu.memref_squeeze %dma_wait3A_559 : memref<1x128xi32, #tpu.memory_space<vmem>> -> memref<128xi32, #tpu.memory_space<vmem>>
      %dma_wait3A_561 = arith.constant 0 : i32
      %dma_wait3A_562 = arith.constant 0 : i32
      %dma_wait3A_563 = tpu.memref_slice %arg3[%dma_wait3A_561, %dma_wait3A_562] : memref<1000000x64xf32, #tpu.memory_space<hbm>> -> memref<1000000x64xf32, #tpu.memory_space<hbm>>
      %dma_wait3A_564 = tpu.memref_slice %arg7[%dma_wait3A_553] : memref<8x!tpu.dma_semaphore, #tpu.memory_space<semaphore_mem>> -> memref<1x!tpu.dma_semaphore, #tpu.memory_space<semaphore_mem>>
      %dma_wait3A_565 = tpu.memref_squeeze %dma_wait3A_564 : memref<1x!tpu.dma_semaphore, #tpu.memory_space<semaphore_mem>> -> memref<!tpu.dma_semaphore, #tpu.memory_space<semaphore_mem>>
      tpu.wait_indirect_dma semaphore(%dma_wait3A_565 : memref<!tpu.dma_semaphore, #tpu.memory_space<semaphore_mem>>) src(%dma_wait3A_563 : memref<1000000x64xf32, #tpu.memory_space<hbm>>) dst(%dma_wait3A_557 : memref<128x64xf32, #tpu.memory_space<vmem>>)
      %mul3A_566 = arith.constant 128 : i32
      %mul3A_567 = arith.muli %add3A_551, %mul3A_566 : i32
      %add3A_568 = arith.addi %mul3A_2, %mul3A_567 : i32
      %dma_start3A_569 = arith.constant 6 : i32
      %dma_start3A_570 = arith.constant 6 : i32
      %dma_start3A_571 = arith.constant 0 : i32
      %dma_start3A_572 = arith.constant 0 : i32
      %dma_start3A_573 = tpu.memref_slice %arg6[%dma_start3A_569, %dma_start3A_571, %dma_start3A_572] : memref<8x128x64xf32, #tpu.memory_space<vmem>> -> memref<1x128x64xf32, #tpu.memory_space<vmem>>
      %dma_start3A_574 = tpu.memref_squeeze %dma_start3A_573 : memref<1x128x64xf32, #tpu.memory_space<vmem>> -> memref<128x64xf32, #tpu.memory_space<vmem>>
      %dma_start3A_575 = arith.constant 0 : i32
      %dma_start3A_576 = tpu.memref_slice %arg4[%add3A_568, %dma_start3A_575] : memref<819200x64xf32, #tpu.memory_space<hbm>> -> memref<128x64xf32, #tpu.memory_space<hbm>>
      %dma_start3A_577 = tpu.memref_slice %arg8[%dma_start3A_570] : memref<8x!tpu.dma_semaphore, #tpu.memory_space<semaphore_mem>> -> memref<1x!tpu.dma_semaphore, #tpu.memory_space<semaphore_mem>>
      %dma_start3A_578 = tpu.memref_squeeze %dma_start3A_577 : memref<1x!tpu.dma_semaphore, #tpu.memory_space<semaphore_mem>> -> memref<!tpu.dma_semaphore, #tpu.memory_space<semaphore_mem>>
      %dma_start3A_579 = arith.constant 0 : i32
      %dma_start3A_580 = tpu.memref_slice %arg4[%add3A_568, %dma_start3A_579] : memref<819200x64xf32, #tpu.memory_space<hbm>> -> memref<128x64xf32, #tpu.memory_space<hbm>>
      %dma_start3A_581 = arith.constant 0 : i32
      %dma_start3A_582 = arith.constant 0 : i32
      %dma_start3A_583 = tpu.memref_slice %arg6[%dma_start3A_569, %dma_start3A_581, %dma_start3A_582] : memref<8x128x64xf32, #tpu.memory_space<vmem>> -> memref<1x128x64xf32, #tpu.memory_space<vmem>>
      %dma_start3A_584 = tpu.memref_squeeze %dma_start3A_583 : memref<1x128x64xf32, #tpu.memory_space<vmem>> -> memref<128x64xf32, #tpu.memory_space<vmem>>
      tpu.enqueue_dma source(%dma_start3A_584 : memref<128x64xf32, #tpu.memory_space<vmem>>) target(%dma_start3A_580 : memref<128x64xf32, #tpu.memory_space<hbm>>) target_semaphore(%dma_start3A_578 : memref<!tpu.dma_semaphore, #tpu.memory_space<semaphore_mem>>)
      %sub3A_585 = arith.constant 4 : i32
      %sub3A_586 = arith.subi %add3A_551, %sub3A_585 : i32
      %ge3A_587 = arith.constant 0 : i32
      %ge3A_588 = arith.cmpi sge, %sub3A_586, %ge3A_587 : i32
      %add3A_589 = arith.constant 8 : i32
      %add3A_590 = arith.addi %sub3A_586, %add3A_589 : i32
      %lt3A_591 = arith.constant 200 : i32
      %lt3A_592 = arith.cmpi slt, %add3A_590, %lt3A_591 : i32
      %and3A_593 = arith.andi %ge3A_588, %lt3A_592 : i1
      %convert_element_type3A_594 = arith.extui %and3A_593 : i1 to i32
      %cond3A_595 = arith.constant 0 : i32
      %cond3A_596 = arith.cmpi ne, %convert_element_type3A_594, %cond3A_595 : i32
      scf.if %cond3A_596 {
        %mul3A_644 = arith.constant 128 : i32
        %mul3A_645 = arith.muli %sub3A_586, %mul3A_644 : i32
        %add3A_646 = arith.addi %mul3A_2, %mul3A_645 : i32
        %dma_wait3A_647 = arith.constant 2 : i32
        %dma_wait3A_648 = arith.constant 2 : i32
        %dma_wait3A_649 = arith.constant 0 : i32
        %dma_wait3A_650 = arith.constant 0 : i32
        %dma_wait3A_651 = tpu.memref_slice %arg6[%dma_wait3A_647, %dma_wait3A_649, %dma_wait3A_650] : memref<8x128x64xf32, #tpu.memory_space<vmem>> -> memref<1x128x64xf32, #tpu.memory_space<vmem>>
        %dma_wait3A_652 = tpu.memref_squeeze %dma_wait3A_651 : memref<1x128x64xf32, #tpu.memory_space<vmem>> -> memref<128x64xf32, #tpu.memory_space<vmem>>
        %dma_wait3A_653 = arith.constant 0 : i32
        %dma_wait3A_654 = tpu.memref_slice %arg4[%add3A_646, %dma_wait3A_653] : memref<819200x64xf32, #tpu.memory_space<hbm>> -> memref<128x64xf32, #tpu.memory_space<hbm>>
        %dma_wait3A_655 = tpu.memref_slice %arg8[%dma_wait3A_648] : memref<8x!tpu.dma_semaphore, #tpu.memory_space<semaphore_mem>> -> memref<1x!tpu.dma_semaphore, #tpu.memory_space<semaphore_mem>>
        %dma_wait3A_656 = tpu.memref_squeeze %dma_wait3A_655 : memref<1x!tpu.dma_semaphore, #tpu.memory_space<semaphore_mem>> -> memref<!tpu.dma_semaphore, #tpu.memory_space<semaphore_mem>>
        %dma_wait3A_657 = arith.constant 0 : i32
        %dma_wait3A_658 = tpu.memref_slice %arg4[%add3A_646, %dma_wait3A_657] : memref<819200x64xf32, #tpu.memory_space<hbm>> -> memref<128x64xf32, #tpu.memory_space<hbm>>
        %dma_wait3A_659 = arith.constant 0 : i32
        %dma_wait3A_660 = arith.constant 0 : i32
        %dma_wait3A_661 = tpu.memref_slice %arg6[%dma_wait3A_647, %dma_wait3A_659, %dma_wait3A_660] : memref<8x128x64xf32, #tpu.memory_space<vmem>> -> memref<1x128x64xf32, #tpu.memory_space<vmem>>
        %dma_wait3A_662 = tpu.memref_squeeze %dma_wait3A_661 : memref<1x128x64xf32, #tpu.memory_space<vmem>> -> memref<128x64xf32, #tpu.memory_space<vmem>>
        tpu.wait_dma2 semaphore(%dma_wait3A_656 : memref<!tpu.dma_semaphore, #tpu.memory_space<semaphore_mem>>) src(%dma_wait3A_662 : memref<128x64xf32, #tpu.memory_space<vmem>>) dst(%dma_wait3A_658 : memref<128x64xf32, #tpu.memory_space<hbm>>)
        %add3A_663 = arith.constant 8 : i32
        %add3A_664 = arith.addi %sub3A_586, %add3A_663 : i32
        %dma_start3A_665 = arith.constant 2 : i32
        %dma_start3A_666 = arith.constant 2 : i32
        %dma_start3A_667 = arith.constant 0 : i32
        %dma_start3A_668 = arith.constant 0 : i32
        %dma_start3A_669 = tpu.memref_slice %arg6[%dma_start3A_665, %dma_start3A_667, %dma_start3A_668] : memref<8x128x64xf32, #tpu.memory_space<vmem>> -> memref<1x128x64xf32, #tpu.memory_space<vmem>>
        %dma_start3A_670 = tpu.memref_squeeze %dma_start3A_669 : memref<1x128x64xf32, #tpu.memory_space<vmem>> -> memref<128x64xf32, #tpu.memory_space<vmem>>
        %dma_start3A_671 = arith.constant 0 : i32
        %dma_start3A_672 = tpu.memref_slice %arg5[%add3A_664, %dma_start3A_671] : memref<200x128xi32, #tpu.memory_space<vmem>> -> memref<1x128xi32, #tpu.memory_space<vmem>>
        %dma_start3A_673 = tpu.memref_squeeze %dma_start3A_672 : memref<1x128xi32, #tpu.memory_space<vmem>> -> memref<128xi32, #tpu.memory_space<vmem>>
        %dma_start3A_674 = arith.constant 0 : i32
        %dma_start3A_675 = arith.constant 0 : i32
        %dma_start3A_676 = tpu.memref_slice %arg3[%dma_start3A_674, %dma_start3A_675] : memref<1000000x64xf32, #tpu.memory_space<hbm>> -> memref<1000000x64xf32, #tpu.memory_space<hbm>>
        %dma_start3A_677 = tpu.memref_slice %arg7[%dma_start3A_666] : memref<8x!tpu.dma_semaphore, #tpu.memory_space<semaphore_mem>> -> memref<1x!tpu.dma_semaphore, #tpu.memory_space<semaphore_mem>>
        %dma_start3A_678 = tpu.memref_squeeze %dma_start3A_677 : memref<1x!tpu.dma_semaphore, #tpu.memory_space<semaphore_mem>> -> memref<!tpu.dma_semaphore, #tpu.memory_space<semaphore_mem>>
        tpu.enqueue_indirect_dma source(%dma_start3A_676 : memref<1000000x64xf32, #tpu.memory_space<hbm>>) target(%dma_start3A_670 : memref<128x64xf32, #tpu.memory_space<vmem>>) offsets(%dma_start3A_673 : memref<128xi32, #tpu.memory_space<vmem>>) semaphore(%dma_start3A_678 : memref<!tpu.dma_semaphore, #tpu.memory_space<semaphore_mem>>)
      } else {
      }
      %add3A_597 = arith.constant 7 : i32
      %add3A_598 = arith.addi %add3A_273, %add3A_597 : i32
      %dma_wait3A_599 = arith.constant 7 : i32
      %dma_wait3A_600 = arith.constant 7 : i32
      %dma_wait3A_601 = arith.constant 0 : i32
      %dma_wait3A_602 = arith.constant 0 : i32
      %dma_wait3A_603 = tpu.memref_slice %arg6[%dma_wait3A_599, %dma_wait3A_601, %dma_wait3A_602] : memref<8x128x64xf32, #tpu.memory_space<vmem>> -> memref<1x128x64xf32, #tpu.memory_space<vmem>>
      %dma_wait3A_604 = tpu.memref_squeeze %dma_wait3A_603 : memref<1x128x64xf32, #tpu.memory_space<vmem>> -> memref<128x64xf32, #tpu.memory_space<vmem>>
      %dma_wait3A_605 = arith.constant 0 : i32
      %dma_wait3A_606 = tpu.memref_slice %arg5[%add3A_598, %dma_wait3A_605] : memref<200x128xi32, #tpu.memory_space<vmem>> -> memref<1x128xi32, #tpu.memory_space<vmem>>
      %dma_wait3A_607 = tpu.memref_squeeze %dma_wait3A_606 : memref<1x128xi32, #tpu.memory_space<vmem>> -> memref<128xi32, #tpu.memory_space<vmem>>
      %dma_wait3A_608 = arith.constant 0 : i32
      %dma_wait3A_609 = arith.constant 0 : i32
      %dma_wait3A_610 = tpu.memref_slice %arg3[%dma_wait3A_608, %dma_wait3A_609] : memref<1000000x64xf32, #tpu.memory_space<hbm>> -> memref<1000000x64xf32, #tpu.memory_space<hbm>>
      %dma_wait3A_611 = tpu.memref_slice %arg7[%dma_wait3A_600] : memref<8x!tpu.dma_semaphore, #tpu.memory_space<semaphore_mem>> -> memref<1x!tpu.dma_semaphore, #tpu.memory_space<semaphore_mem>>
      %dma_wait3A_612 = tpu.memref_squeeze %dma_wait3A_611 : memref<1x!tpu.dma_semaphore, #tpu.memory_space<semaphore_mem>> -> memref<!tpu.dma_semaphore, #tpu.memory_space<semaphore_mem>>
      tpu.wait_indirect_dma semaphore(%dma_wait3A_612 : memref<!tpu.dma_semaphore, #tpu.memory_space<semaphore_mem>>) src(%dma_wait3A_610 : memref<1000000x64xf32, #tpu.memory_space<hbm>>) dst(%dma_wait3A_604 : memref<128x64xf32, #tpu.memory_space<vmem>>)
      %mul3A_613 = arith.constant 128 : i32
      %mul3A_614 = arith.muli %add3A_598, %mul3A_613 : i32
      %add3A_615 = arith.addi %mul3A_2, %mul3A_614 : i32
      %dma_start3A_616 = arith.constant 7 : i32
      %dma_start3A_617 = arith.constant 7 : i32
      %dma_start3A_618 = arith.constant 0 : i32
      %dma_start3A_619 = arith.constant 0 : i32
      %dma_start3A_620 = tpu.memref_slice %arg6[%dma_start3A_616, %dma_start3A_618, %dma_start3A_619] : memref<8x128x64xf32, #tpu.memory_space<vmem>> -> memref<1x128x64xf32, #tpu.memory_space<vmem>>
      %dma_start3A_621 = tpu.memref_squeeze %dma_start3A_620 : memref<1x128x64xf32, #tpu.memory_space<vmem>> -> memref<128x64xf32, #tpu.memory_space<vmem>>
      %dma_start3A_622 = arith.constant 0 : i32
      %dma_start3A_623 = tpu.memref_slice %arg4[%add3A_615, %dma_start3A_622] : memref<819200x64xf32, #tpu.memory_space<hbm>> -> memref<128x64xf32, #tpu.memory_space<hbm>>
      %dma_start3A_624 = tpu.memref_slice %arg8[%dma_start3A_617] : memref<8x!tpu.dma_semaphore, #tpu.memory_space<semaphore_mem>> -> memref<1x!tpu.dma_semaphore, #tpu.memory_space<semaphore_mem>>
      %dma_start3A_625 = tpu.memref_squeeze %dma_start3A_624 : memref<1x!tpu.dma_semaphore, #tpu.memory_space<semaphore_mem>> -> memref<!tpu.dma_semaphore, #tpu.memory_space<semaphore_mem>>
      %dma_start3A_626 = arith.constant 0 : i32
      %dma_start3A_627 = tpu.memref_slice %arg4[%add3A_615, %dma_start3A_626] : memref<819200x64xf32, #tpu.memory_space<hbm>> -> memref<128x64xf32, #tpu.memory_space<hbm>>
      %dma_start3A_628 = arith.constant 0 : i32
      %dma_start3A_629 = arith.constant 0 : i32
      %dma_start3A_630 = tpu.memref_slice %arg6[%dma_start3A_616, %dma_start3A_628, %dma_start3A_629] : memref<8x128x64xf32, #tpu.memory_space<vmem>> -> memref<1x128x64xf32, #tpu.memory_space<vmem>>
      %dma_start3A_631 = tpu.memref_squeeze %dma_start3A_630 : memref<1x128x64xf32, #tpu.memory_space<vmem>> -> memref<128x64xf32, #tpu.memory_space<vmem>>
      tpu.enqueue_dma source(%dma_start3A_631 : memref<128x64xf32, #tpu.memory_space<vmem>>) target(%dma_start3A_627 : memref<128x64xf32, #tpu.memory_space<hbm>>) target_semaphore(%dma_start3A_625 : memref<!tpu.dma_semaphore, #tpu.memory_space<semaphore_mem>>)
      %sub3A_632 = arith.constant 4 : i32
      %sub3A_633 = arith.subi %add3A_598, %sub3A_632 : i32
      %ge3A_634 = arith.constant 0 : i32
      %ge3A_635 = arith.cmpi sge, %sub3A_633, %ge3A_634 : i32
      %add3A_636 = arith.constant 8 : i32
      %add3A_637 = arith.addi %sub3A_633, %add3A_636 : i32
      %lt3A_638 = arith.constant 200 : i32
      %lt3A_639 = arith.cmpi slt, %add3A_637, %lt3A_638 : i32
      %and3A_640 = arith.andi %ge3A_635, %lt3A_639 : i1
      %convert_element_type3A_641 = arith.extui %and3A_640 : i1 to i32
      %cond3A_642 = arith.constant 0 : i32
      %cond3A_643 = arith.cmpi ne, %convert_element_type3A_641, %cond3A_642 : i32
      scf.if %cond3A_643 {
        %mul3A_644 = arith.constant 128 : i32
        %mul3A_645 = arith.muli %sub3A_633, %mul3A_644 : i32
        %add3A_646 = arith.addi %mul3A_2, %mul3A_645 : i32
        %dma_wait3A_647 = arith.constant 3 : i32
        %dma_wait3A_648 = arith.constant 3 : i32
        %dma_wait3A_649 = arith.constant 0 : i32
        %dma_wait3A_650 = arith.constant 0 : i32
        %dma_wait3A_651 = tpu.memref_slice %arg6[%dma_wait3A_647, %dma_wait3A_649, %dma_wait3A_650] : memref<8x128x64xf32, #tpu.memory_space<vmem>> -> memref<1x128x64xf32, #tpu.memory_space<vmem>>
        %dma_wait3A_652 = tpu.memref_squeeze %dma_wait3A_651 : memref<1x128x64xf32, #tpu.memory_space<vmem>> -> memref<128x64xf32, #tpu.memory_space<vmem>>
        %dma_wait3A_653 = arith.constant 0 : i32
        %dma_wait3A_654 = tpu.memref_slice %arg4[%add3A_646, %dma_wait3A_653] : memref<819200x64xf32, #tpu.memory_space<hbm>> -> memref<128x64xf32, #tpu.memory_space<hbm>>
        %dma_wait3A_655 = tpu.memref_slice %arg8[%dma_wait3A_648] : memref<8x!tpu.dma_semaphore, #tpu.memory_space<semaphore_mem>> -> memref<1x!tpu.dma_semaphore, #tpu.memory_space<semaphore_mem>>
        %dma_wait3A_656 = tpu.memref_squeeze %dma_wait3A_655 : memref<1x!tpu.dma_semaphore, #tpu.memory_space<semaphore_mem>> -> memref<!tpu.dma_semaphore, #tpu.memory_space<semaphore_mem>>
        %dma_wait3A_657 = arith.constant 0 : i32
        %dma_wait3A_658 = tpu.memref_slice %arg4[%add3A_646, %dma_wait3A_657] : memref<819200x64xf32, #tpu.memory_space<hbm>> -> memref<128x64xf32, #tpu.memory_space<hbm>>
        %dma_wait3A_659 = arith.constant 0 : i32
        %dma_wait3A_660 = arith.constant 0 : i32
        %dma_wait3A_661 = tpu.memref_slice %arg6[%dma_wait3A_647, %dma_wait3A_659, %dma_wait3A_660] : memref<8x128x64xf32, #tpu.memory_space<vmem>> -> memref<1x128x64xf32, #tpu.memory_space<vmem>>
        %dma_wait3A_662 = tpu.memref_squeeze %dma_wait3A_661 : memref<1x128x64xf32, #tpu.memory_space<vmem>> -> memref<128x64xf32, #tpu.memory_space<vmem>>
        tpu.wait_dma2 semaphore(%dma_wait3A_656 : memref<!tpu.dma_semaphore, #tpu.memory_space<semaphore_mem>>) src(%dma_wait3A_662 : memref<128x64xf32, #tpu.memory_space<vmem>>) dst(%dma_wait3A_658 : memref<128x64xf32, #tpu.memory_space<hbm>>)
        %add3A_663 = arith.constant 8 : i32
        %add3A_664 = arith.addi %sub3A_633, %add3A_663 : i32
        %dma_start3A_665 = arith.constant 3 : i32
        %dma_start3A_666 = arith.constant 3 : i32
        %dma_start3A_667 = arith.constant 0 : i32
        %dma_start3A_668 = arith.constant 0 : i32
        %dma_start3A_669 = tpu.memref_slice %arg6[%dma_start3A_665, %dma_start3A_667, %dma_start3A_668] : memref<8x128x64xf32, #tpu.memory_space<vmem>> -> memref<1x128x64xf32, #tpu.memory_space<vmem>>
        %dma_start3A_670 = tpu.memref_squeeze %dma_start3A_669 : memref<1x128x64xf32, #tpu.memory_space<vmem>> -> memref<128x64xf32, #tpu.memory_space<vmem>>
        %dma_start3A_671 = arith.constant 0 : i32
        %dma_start3A_672 = tpu.memref_slice %arg5[%add3A_664, %dma_start3A_671] : memref<200x128xi32, #tpu.memory_space<vmem>> -> memref<1x128xi32, #tpu.memory_space<vmem>>
        %dma_start3A_673 = tpu.memref_squeeze %dma_start3A_672 : memref<1x128xi32, #tpu.memory_space<vmem>> -> memref<128xi32, #tpu.memory_space<vmem>>
        %dma_start3A_674 = arith.constant 0 : i32
        %dma_start3A_675 = arith.constant 0 : i32
        %dma_start3A_676 = tpu.memref_slice %arg3[%dma_start3A_674, %dma_start3A_675] : memref<1000000x64xf32, #tpu.memory_space<hbm>> -> memref<1000000x64xf32, #tpu.memory_space<hbm>>
        %dma_start3A_677 = tpu.memref_slice %arg7[%dma_start3A_666] : memref<8x!tpu.dma_semaphore, #tpu.memory_space<semaphore_mem>> -> memref<1x!tpu.dma_semaphore, #tpu.memory_space<semaphore_mem>>
        %dma_start3A_678 = tpu.memref_squeeze %dma_start3A_677 : memref<1x!tpu.dma_semaphore, #tpu.memory_space<semaphore_mem>> -> memref<!tpu.dma_semaphore, #tpu.memory_space<semaphore_mem>>
        tpu.enqueue_indirect_dma source(%dma_start3A_676 : memref<1000000x64xf32, #tpu.memory_space<hbm>>) target(%dma_start3A_670 : memref<128x64xf32, #tpu.memory_space<vmem>>) offsets(%dma_start3A_673 : memref<128xi32, #tpu.memory_space<vmem>>) semaphore(%dma_start3A_678 : memref<!tpu.dma_semaphore, #tpu.memory_space<semaphore_mem>>)
      } else {
      }
    }
    %scan3A_125 = arith.constant 25 : i32
    %add3A_126 = arith.constant 24576 : i32
    %add3A_127 = arith.addi %mul3A_2, %add3A_126 : i32
    %dma_wait3A = arith.constant 0 : i32
    %dma_wait3A_128 = arith.constant 0 : i32
    %dma_wait3A_129 = arith.constant 0 : i32
    %dma_wait3A_130 = arith.constant 0 : i32
    %dma_wait3A_131 = tpu.memref_slice %arg6[%dma_wait3A, %dma_wait3A_129, %dma_wait3A_130] : memref<8x128x64xf32, #tpu.memory_space<vmem>> -> memref<1x128x64xf32, #tpu.memory_space<vmem>>
    %dma_wait3A_132 = tpu.memref_squeeze %dma_wait3A_131 : memref<1x128x64xf32, #tpu.memory_space<vmem>> -> memref<128x64xf32, #tpu.memory_space<vmem>>
    %dma_wait3A_133 = arith.constant 0 : i32
    %dma_wait3A_134 = tpu.memref_slice %arg4[%add3A_127, %dma_wait3A_133] : memref<819200x64xf32, #tpu.memory_space<hbm>> -> memref<128x64xf32, #tpu.memory_space<hbm>>
    %dma_wait3A_135 = tpu.memref_slice %arg8[%dma_wait3A_128] : memref<8x!tpu.dma_semaphore, #tpu.memory_space<semaphore_mem>> -> memref<1x!tpu.dma_semaphore, #tpu.memory_space<semaphore_mem>>
    %dma_wait3A_136 = tpu.memref_squeeze %dma_wait3A_135 : memref<1x!tpu.dma_semaphore, #tpu.memory_space<semaphore_mem>> -> memref<!tpu.dma_semaphore, #tpu.memory_space<semaphore_mem>>
    %dma_wait3A_137 = arith.constant 0 : i32
    %dma_wait3A_138 = tpu.memref_slice %arg4[%add3A_127, %dma_wait3A_137] : memref<819200x64xf32, #tpu.memory_space<hbm>> -> memref<128x64xf32, #tpu.memory_space<hbm>>
    %dma_wait3A_139 = arith.constant 0 : i32
    %dma_wait3A_140 = arith.constant 0 : i32
    %dma_wait3A_141 = tpu.memref_slice %arg6[%dma_wait3A, %dma_wait3A_139, %dma_wait3A_140] : memref<8x128x64xf32, #tpu.memory_space<vmem>> -> memref<1x128x64xf32, #tpu.memory_space<vmem>>
    %dma_wait3A_142 = tpu.memref_squeeze %dma_wait3A_141 : memref<1x128x64xf32, #tpu.memory_space<vmem>> -> memref<128x64xf32, #tpu.memory_space<vmem>>
    tpu.wait_dma2 semaphore(%dma_wait3A_136 : memref<!tpu.dma_semaphore, #tpu.memory_space<semaphore_mem>>) src(%dma_wait3A_142 : memref<128x64xf32, #tpu.memory_space<vmem>>) dst(%dma_wait3A_138 : memref<128x64xf32, #tpu.memory_space<hbm>>)
    %add3A_143 = arith.constant 24704 : i32
    %add3A_144 = arith.addi %mul3A_2, %add3A_143 : i32
    %dma_wait3A_145 = arith.constant 1 : i32
    %dma_wait3A_146 = arith.constant 1 : i32
    %dma_wait3A_147 = arith.constant 0 : i32
    %dma_wait3A_148 = arith.constant 0 : i32
    %dma_wait3A_149 = tpu.memref_slice %arg6[%dma_wait3A_145, %dma_wait3A_147, %dma_wait3A_148] : memref<8x128x64xf32, #tpu.memory_space<vmem>> -> memref<1x128x64xf32, #tpu.memory_space<vmem>>
    %dma_wait3A_150 = tpu.memref_squeeze %dma_wait3A_149 : memref<1x128x64xf32, #tpu.memory_space<vmem>> -> memref<128x64xf32, #tpu.memory_space<vmem>>
    %dma_wait3A_151 = arith.constant 0 : i32
    %dma_wait3A_152 = tpu.memref_slice %arg4[%add3A_144, %dma_wait3A_151] : memref<819200x64xf32, #tpu.memory_space<hbm>> -> memref<128x64xf32, #tpu.memory_space<hbm>>
    %dma_wait3A_153 = tpu.memref_slice %arg8[%dma_wait3A_146] : memref<8x!tpu.dma_semaphore, #tpu.memory_space<semaphore_mem>> -> memref<1x!tpu.dma_semaphore, #tpu.memory_space<semaphore_mem>>
    %dma_wait3A_154 = tpu.memref_squeeze %dma_wait3A_153 : memref<1x!tpu.dma_semaphore, #tpu.memory_space<semaphore_mem>> -> memref<!tpu.dma_semaphore, #tpu.memory_space<semaphore_mem>>
    %dma_wait3A_155 = arith.constant 0 : i32
    %dma_wait3A_156 = tpu.memref_slice %arg4[%add3A_144, %dma_wait3A_155] : memref<819200x64xf32, #tpu.memory_space<hbm>> -> memref<128x64xf32, #tpu.memory_space<hbm>>
    %dma_wait3A_157 = arith.constant 0 : i32
    %dma_wait3A_158 = arith.constant 0 : i32
    %dma_wait3A_159 = tpu.memref_slice %arg6[%dma_wait3A_145, %dma_wait3A_157, %dma_wait3A_158] : memref<8x128x64xf32, #tpu.memory_space<vmem>> -> memref<1x128x64xf32, #tpu.memory_space<vmem>>
    %dma_wait3A_160 = tpu.memref_squeeze %dma_wait3A_159 : memref<1x128x64xf32, #tpu.memory_space<vmem>> -> memref<128x64xf32, #tpu.memory_space<vmem>>
    tpu.wait_dma2 semaphore(%dma_wait3A_154 : memref<!tpu.dma_semaphore, #tpu.memory_space<semaphore_mem>>) src(%dma_wait3A_160 : memref<128x64xf32, #tpu.memory_space<vmem>>) dst(%dma_wait3A_156 : memref<128x64xf32, #tpu.memory_space<hbm>>)
    %add3A_161 = arith.constant 24832 : i32
    %add3A_162 = arith.addi %mul3A_2, %add3A_161 : i32
    %dma_wait3A_163 = arith.constant 2 : i32
    %dma_wait3A_164 = arith.constant 2 : i32
    %dma_wait3A_165 = arith.constant 0 : i32
    %dma_wait3A_166 = arith.constant 0 : i32
    %dma_wait3A_167 = tpu.memref_slice %arg6[%dma_wait3A_163, %dma_wait3A_165, %dma_wait3A_166] : memref<8x128x64xf32, #tpu.memory_space<vmem>> -> memref<1x128x64xf32, #tpu.memory_space<vmem>>
    %dma_wait3A_168 = tpu.memref_squeeze %dma_wait3A_167 : memref<1x128x64xf32, #tpu.memory_space<vmem>> -> memref<128x64xf32, #tpu.memory_space<vmem>>
    %dma_wait3A_169 = arith.constant 0 : i32
    %dma_wait3A_170 = tpu.memref_slice %arg4[%add3A_162, %dma_wait3A_169] : memref<819200x64xf32, #tpu.memory_space<hbm>> -> memref<128x64xf32, #tpu.memory_space<hbm>>
    %dma_wait3A_171 = tpu.memref_slice %arg8[%dma_wait3A_164] : memref<8x!tpu.dma_semaphore, #tpu.memory_space<semaphore_mem>> -> memref<1x!tpu.dma_semaphore, #tpu.memory_space<semaphore_mem>>
    %dma_wait3A_172 = tpu.memref_squeeze %dma_wait3A_171 : memref<1x!tpu.dma_semaphore, #tpu.memory_space<semaphore_mem>> -> memref<!tpu.dma_semaphore, #tpu.memory_space<semaphore_mem>>
    %dma_wait3A_173 = arith.constant 0 : i32
    %dma_wait3A_174 = tpu.memref_slice %arg4[%add3A_162, %dma_wait3A_173] : memref<819200x64xf32, #tpu.memory_space<hbm>> -> memref<128x64xf32, #tpu.memory_space<hbm>>
    %dma_wait3A_175 = arith.constant 0 : i32
    %dma_wait3A_176 = arith.constant 0 : i32
    %dma_wait3A_177 = tpu.memref_slice %arg6[%dma_wait3A_163, %dma_wait3A_175, %dma_wait3A_176] : memref<8x128x64xf32, #tpu.memory_space<vmem>> -> memref<1x128x64xf32, #tpu.memory_space<vmem>>
    %dma_wait3A_178 = tpu.memref_squeeze %dma_wait3A_177 : memref<1x128x64xf32, #tpu.memory_space<vmem>> -> memref<128x64xf32, #tpu.memory_space<vmem>>
    tpu.wait_dma2 semaphore(%dma_wait3A_172 : memref<!tpu.dma_semaphore, #tpu.memory_space<semaphore_mem>>) src(%dma_wait3A_178 : memref<128x64xf32, #tpu.memory_space<vmem>>) dst(%dma_wait3A_174 : memref<128x64xf32, #tpu.memory_space<hbm>>)
    %add3A_179 = arith.constant 24960 : i32
    %add3A_180 = arith.addi %mul3A_2, %add3A_179 : i32
    %dma_wait3A_181 = arith.constant 3 : i32
    %dma_wait3A_182 = arith.constant 3 : i32
    %dma_wait3A_183 = arith.constant 0 : i32
    %dma_wait3A_184 = arith.constant 0 : i32
    %dma_wait3A_185 = tpu.memref_slice %arg6[%dma_wait3A_181, %dma_wait3A_183, %dma_wait3A_184] : memref<8x128x64xf32, #tpu.memory_space<vmem>> -> memref<1x128x64xf32, #tpu.memory_space<vmem>>
    %dma_wait3A_186 = tpu.memref_squeeze %dma_wait3A_185 : memref<1x128x64xf32, #tpu.memory_space<vmem>> -> memref<128x64xf32, #tpu.memory_space<vmem>>
    %dma_wait3A_187 = arith.constant 0 : i32
    %dma_wait3A_188 = tpu.memref_slice %arg4[%add3A_180, %dma_wait3A_187] : memref<819200x64xf32, #tpu.memory_space<hbm>> -> memref<128x64xf32, #tpu.memory_space<hbm>>
    %dma_wait3A_189 = tpu.memref_slice %arg8[%dma_wait3A_182] : memref<8x!tpu.dma_semaphore, #tpu.memory_space<semaphore_mem>> -> memref<1x!tpu.dma_semaphore, #tpu.memory_space<semaphore_mem>>
    %dma_wait3A_190 = tpu.memref_squeeze %dma_wait3A_189 : memref<1x!tpu.dma_semaphore, #tpu.memory_space<semaphore_mem>> -> memref<!tpu.dma_semaphore, #tpu.memory_space<semaphore_mem>>
    %dma_wait3A_191 = arith.constant 0 : i32
    %dma_wait3A_192 = tpu.memref_slice %arg4[%add3A_180, %dma_wait3A_191] : memref<819200x64xf32, #tpu.memory_space<hbm>> -> memref<128x64xf32, #tpu.memory_space<hbm>>
    %dma_wait3A_193 = arith.constant 0 : i32
    %dma_wait3A_194 = arith.constant 0 : i32
    %dma_wait3A_195 = tpu.memref_slice %arg6[%dma_wait3A_181, %dma_wait3A_193, %dma_wait3A_194] : memref<8x128x64xf32, #tpu.memory_space<vmem>> -> memref<1x128x64xf32, #tpu.memory_space<vmem>>
    %dma_wait3A_196 = tpu.memref_squeeze %dma_wait3A_195 : memref<1x128x64xf32, #tpu.memory_space<vmem>> -> memref<128x64xf32, #tpu.memory_space<vmem>>
    tpu.wait_dma2 semaphore(%dma_wait3A_190 : memref<!tpu.dma_semaphore, #tpu.memory_space<semaphore_mem>>) src(%dma_wait3A_196 : memref<128x64xf32, #tpu.memory_space<vmem>>) dst(%dma_wait3A_192 : memref<128x64xf32, #tpu.memory_space<hbm>>)
    %add3A_197 = arith.constant 25088 : i32
    %add3A_198 = arith.addi %mul3A_2, %add3A_197 : i32
    %dma_wait3A_199 = arith.constant 4 : i32
    %dma_wait3A_200 = arith.constant 4 : i32
    %dma_wait3A_201 = arith.constant 0 : i32
    %dma_wait3A_202 = arith.constant 0 : i32
    %dma_wait3A_203 = tpu.memref_slice %arg6[%dma_wait3A_199, %dma_wait3A_201, %dma_wait3A_202] : memref<8x128x64xf32, #tpu.memory_space<vmem>> -> memref<1x128x64xf32, #tpu.memory_space<vmem>>
    %dma_wait3A_204 = tpu.memref_squeeze %dma_wait3A_203 : memref<1x128x64xf32, #tpu.memory_space<vmem>> -> memref<128x64xf32, #tpu.memory_space<vmem>>
    %dma_wait3A_205 = arith.constant 0 : i32
    %dma_wait3A_206 = tpu.memref_slice %arg4[%add3A_198, %dma_wait3A_205] : memref<819200x64xf32, #tpu.memory_space<hbm>> -> memref<128x64xf32, #tpu.memory_space<hbm>>
    %dma_wait3A_207 = tpu.memref_slice %arg8[%dma_wait3A_200] : memref<8x!tpu.dma_semaphore, #tpu.memory_space<semaphore_mem>> -> memref<1x!tpu.dma_semaphore, #tpu.memory_space<semaphore_mem>>
    %dma_wait3A_208 = tpu.memref_squeeze %dma_wait3A_207 : memref<1x!tpu.dma_semaphore, #tpu.memory_space<semaphore_mem>> -> memref<!tpu.dma_semaphore, #tpu.memory_space<semaphore_mem>>
    %dma_wait3A_209 = arith.constant 0 : i32
    %dma_wait3A_210 = tpu.memref_slice %arg4[%add3A_198, %dma_wait3A_209] : memref<819200x64xf32, #tpu.memory_space<hbm>> -> memref<128x64xf32, #tpu.memory_space<hbm>>
    %dma_wait3A_211 = arith.constant 0 : i32
    %dma_wait3A_212 = arith.constant 0 : i32
    %dma_wait3A_213 = tpu.memref_slice %arg6[%dma_wait3A_199, %dma_wait3A_211, %dma_wait3A_212] : memref<8x128x64xf32, #tpu.memory_space<vmem>> -> memref<1x128x64xf32, #tpu.memory_space<vmem>>
    %dma_wait3A_214 = tpu.memref_squeeze %dma_wait3A_213 : memref<1x128x64xf32, #tpu.memory_space<vmem>> -> memref<128x64xf32, #tpu.memory_space<vmem>>
    tpu.wait_dma2 semaphore(%dma_wait3A_208 : memref<!tpu.dma_semaphore, #tpu.memory_space<semaphore_mem>>) src(%dma_wait3A_214 : memref<128x64xf32, #tpu.memory_space<vmem>>) dst(%dma_wait3A_210 : memref<128x64xf32, #tpu.memory_space<hbm>>)
    %add3A_215 = arith.constant 25216 : i32
    %add3A_216 = arith.addi %mul3A_2, %add3A_215 : i32
    %dma_wait3A_217 = arith.constant 5 : i32
    %dma_wait3A_218 = arith.constant 5 : i32
    %dma_wait3A_219 = arith.constant 0 : i32
    %dma_wait3A_220 = arith.constant 0 : i32
    %dma_wait3A_221 = tpu.memref_slice %arg6[%dma_wait3A_217, %dma_wait3A_219, %dma_wait3A_220] : memref<8x128x64xf32, #tpu.memory_space<vmem>> -> memref<1x128x64xf32, #tpu.memory_space<vmem>>
    %dma_wait3A_222 = tpu.memref_squeeze %dma_wait3A_221 : memref<1x128x64xf32, #tpu.memory_space<vmem>> -> memref<128x64xf32, #tpu.memory_space<vmem>>
    %dma_wait3A_223 = arith.constant 0 : i32
    %dma_wait3A_224 = tpu.memref_slice %arg4[%add3A_216, %dma_wait3A_223] : memref<819200x64xf32, #tpu.memory_space<hbm>> -> memref<128x64xf32, #tpu.memory_space<hbm>>
    %dma_wait3A_225 = tpu.memref_slice %arg8[%dma_wait3A_218] : memref<8x!tpu.dma_semaphore, #tpu.memory_space<semaphore_mem>> -> memref<1x!tpu.dma_semaphore, #tpu.memory_space<semaphore_mem>>
    %dma_wait3A_226 = tpu.memref_squeeze %dma_wait3A_225 : memref<1x!tpu.dma_semaphore, #tpu.memory_space<semaphore_mem>> -> memref<!tpu.dma_semaphore, #tpu.memory_space<semaphore_mem>>
    %dma_wait3A_227 = arith.constant 0 : i32
    %dma_wait3A_228 = tpu.memref_slice %arg4[%add3A_216, %dma_wait3A_227] : memref<819200x64xf32, #tpu.memory_space<hbm>> -> memref<128x64xf32, #tpu.memory_space<hbm>>
    %dma_wait3A_229 = arith.constant 0 : i32
    %dma_wait3A_230 = arith.constant 0 : i32
    %dma_wait3A_231 = tpu.memref_slice %arg6[%dma_wait3A_217, %dma_wait3A_229, %dma_wait3A_230] : memref<8x128x64xf32, #tpu.memory_space<vmem>> -> memref<1x128x64xf32, #tpu.memory_space<vmem>>
    %dma_wait3A_232 = tpu.memref_squeeze %dma_wait3A_231 : memref<1x128x64xf32, #tpu.memory_space<vmem>> -> memref<128x64xf32, #tpu.memory_space<vmem>>
    tpu.wait_dma2 semaphore(%dma_wait3A_226 : memref<!tpu.dma_semaphore, #tpu.memory_space<semaphore_mem>>) src(%dma_wait3A_232 : memref<128x64xf32, #tpu.memory_space<vmem>>) dst(%dma_wait3A_228 : memref<128x64xf32, #tpu.memory_space<hbm>>)
    %add3A_233 = arith.constant 25344 : i32
    %add3A_234 = arith.addi %mul3A_2, %add3A_233 : i32
    %dma_wait3A_235 = arith.constant 6 : i32
    %dma_wait3A_236 = arith.constant 6 : i32
    %dma_wait3A_237 = arith.constant 0 : i32
    %dma_wait3A_238 = arith.constant 0 : i32
    %dma_wait3A_239 = tpu.memref_slice %arg6[%dma_wait3A_235, %dma_wait3A_237, %dma_wait3A_238] : memref<8x128x64xf32, #tpu.memory_space<vmem>> -> memref<1x128x64xf32, #tpu.memory_space<vmem>>
    %dma_wait3A_240 = tpu.memref_squeeze %dma_wait3A_239 : memref<1x128x64xf32, #tpu.memory_space<vmem>> -> memref<128x64xf32, #tpu.memory_space<vmem>>
    %dma_wait3A_241 = arith.constant 0 : i32
    %dma_wait3A_242 = tpu.memref_slice %arg4[%add3A_234, %dma_wait3A_241] : memref<819200x64xf32, #tpu.memory_space<hbm>> -> memref<128x64xf32, #tpu.memory_space<hbm>>
    %dma_wait3A_243 = tpu.memref_slice %arg8[%dma_wait3A_236] : memref<8x!tpu.dma_semaphore, #tpu.memory_space<semaphore_mem>> -> memref<1x!tpu.dma_semaphore, #tpu.memory_space<semaphore_mem>>
    %dma_wait3A_244 = tpu.memref_squeeze %dma_wait3A_243 : memref<1x!tpu.dma_semaphore, #tpu.memory_space<semaphore_mem>> -> memref<!tpu.dma_semaphore, #tpu.memory_space<semaphore_mem>>
    %dma_wait3A_245 = arith.constant 0 : i32
    %dma_wait3A_246 = tpu.memref_slice %arg4[%add3A_234, %dma_wait3A_245] : memref<819200x64xf32, #tpu.memory_space<hbm>> -> memref<128x64xf32, #tpu.memory_space<hbm>>
    %dma_wait3A_247 = arith.constant 0 : i32
    %dma_wait3A_248 = arith.constant 0 : i32
    %dma_wait3A_249 = tpu.memref_slice %arg6[%dma_wait3A_235, %dma_wait3A_247, %dma_wait3A_248] : memref<8x128x64xf32, #tpu.memory_space<vmem>> -> memref<1x128x64xf32, #tpu.memory_space<vmem>>
    %dma_wait3A_250 = tpu.memref_squeeze %dma_wait3A_249 : memref<1x128x64xf32, #tpu.memory_space<vmem>> -> memref<128x64xf32, #tpu.memory_space<vmem>>
    tpu.wait_dma2 semaphore(%dma_wait3A_244 : memref<!tpu.dma_semaphore, #tpu.memory_space<semaphore_mem>>) src(%dma_wait3A_250 : memref<128x64xf32, #tpu.memory_space<vmem>>) dst(%dma_wait3A_246 : memref<128x64xf32, #tpu.memory_space<hbm>>)
    %add3A_251 = arith.constant 25472 : i32
    %add3A_252 = arith.addi %mul3A_2, %add3A_251 : i32
    %dma_wait3A_253 = arith.constant 7 : i32
    %dma_wait3A_254 = arith.constant 7 : i32
    %dma_wait3A_255 = arith.constant 0 : i32
    %dma_wait3A_256 = arith.constant 0 : i32
    %dma_wait3A_257 = tpu.memref_slice %arg6[%dma_wait3A_253, %dma_wait3A_255, %dma_wait3A_256] : memref<8x128x64xf32, #tpu.memory_space<vmem>> -> memref<1x128x64xf32, #tpu.memory_space<vmem>>
    %dma_wait3A_258 = tpu.memref_squeeze %dma_wait3A_257 : memref<1x128x64xf32, #tpu.memory_space<vmem>> -> memref<128x64xf32, #tpu.memory_space<vmem>>
    %dma_wait3A_259 = arith.constant 0 : i32
    %dma_wait3A_260 = tpu.memref_slice %arg4[%add3A_252, %dma_wait3A_259] : memref<819200x64xf32, #tpu.memory_space<hbm>> -> memref<128x64xf32, #tpu.memory_space<hbm>>
    %dma_wait3A_261 = tpu.memref_slice %arg8[%dma_wait3A_254] : memref<8x!tpu.dma_semaphore, #tpu.memory_space<semaphore_mem>> -> memref<1x!tpu.dma_semaphore, #tpu.memory_space<semaphore_mem>>
    %dma_wait3A_262 = tpu.memref_squeeze %dma_wait3A_261 : memref<1x!tpu.dma_semaphore, #tpu.memory_space<semaphore_mem>> -> memref<!tpu.dma_semaphore, #tpu.memory_space<semaphore_mem>>
    %dma_wait3A_263 = arith.constant 0 : i32
    %dma_wait3A_264 = tpu.memref_slice %arg4[%add3A_252, %dma_wait3A_263] : memref<819200x64xf32, #tpu.memory_space<hbm>> -> memref<128x64xf32, #tpu.memory_space<hbm>>
    %dma_wait3A_265 = arith.constant 0 : i32
    %dma_wait3A_266 = arith.constant 0 : i32
    %dma_wait3A_267 = tpu.memref_slice %arg6[%dma_wait3A_253, %dma_wait3A_265, %dma_wait3A_266] : memref<8x128x64xf32, #tpu.memory_space<vmem>> -> memref<1x128x64xf32, #tpu.memory_space<vmem>>
    %dma_wait3A_268 = tpu.memref_squeeze %dma_wait3A_267 : memref<1x128x64xf32, #tpu.memory_space<vmem>> -> memref<128x64xf32, #tpu.memory_space<vmem>>
    tpu.wait_dma2 semaphore(%dma_wait3A_262 : memref<!tpu.dma_semaphore, #tpu.memory_space<semaphore_mem>>) src(%dma_wait3A_268 : memref<128x64xf32, #tpu.memory_space<vmem>>) dst(%dma_wait3A_264 : memref<128x64xf32, #tpu.memory_space<hbm>>)
    return
  }
}

</mosaic_0001>

<sc_bundles>
// kernel: kernel.3.cloned.1.call-start
scs
__scs_entry_jumppad:
0x0: {  	(pc) =	sbr.rel $0x88, $3  }
0x1: {  	(tag) =	ssettag $0x0;
	lr =	simm.s32 $0x1  }
0x2: {  	[smem:$0x3F9F] =	sst lr;
	_ =	strace $0xD0000000  }
0x3: {  	_ = 	snop  }
0x4: {  	_ = 	snop  }
0x5: {  	_ = 	snop  }
0x6: {  	_ = 	snop  }
0x7: {  	_ = 	snop  }
__scs_overlays_trampoline_lowered:
0x8: {  	[smem:$0x3FAE] =	sst s0  }
0x9: {  	[smem:$0x3FAF] =	sst s1  }
0xa: {  	[smem:$0x3FB0] =	sst s2  }
0xb: {  	[smem:$0x3FB1] =	sst s3  }
0xc: {  	[smem:$0x3FB2] =	sst s4  }
0xd: {  	[smem:$0x3FB3] =	sst s5  }
0xe: {  	[smem:$0x3FB4] =	sst s6  }
0xf: {  	[smem:$0x3FB5] =	sst s7  }
0x10: {  	[smem:$0x3FB6] =	sst s8  }
0x11: {  	[smem:$0x3FB7] =	sst s9;
	s0 =	simm.s32 @!p0 $0x0  }
0x12: {  	s1 =	sld [smem:$0x3F9D];
	s0 =	simm.s32 @p0 $0x1  }
0x13: {  	[smem:$0x3FB8] =	sst s0;
	s0 =	simm.s32 @!p1 $0x0  }
0x14: {  	s2 =	sld [smem:$0x3F9C];
	s0 =	simm.s32 @p1 $0x1  }
0x15: {  	[smem:$0x3FB9] =	sst s0;
	s0 =	simm.s32 @!p2 $0x0  }
0x16: {  	s3 =	sld [smem:$0x3FDB];
	s0 =	simm.s32 @p2 $0x1  }
0x17: {  	s4 =	simm.s32 $0x1BF5;
	[smem:$0x3FBB] =	sst s0  }
0x18: {  	s0 =	sld [smem:$0x3F9E];
	_ =	swait.ge [sflag:s4], $0x0  }
0x19: {  	s7 =	sld [smem:$0x3F9F]  }
0x1a: {  	s8 =	sadd.s32 $0xFFFFE003, lr  }
0x1b: {  	s9 =	sadd.s32 $0xFFFFFEF7, lr;
	s5 =	simm.s32 $0xFFFFFFFF;
	p2 =	slt.u32 s8, $0xFFFFF086  }
0x1c: {  	p1 =	slt.u32 s9, $0xF7A;
	s5 =	simm.s32 @!p2 $0x0  }
0x1d: {  	s5 =	simm.s32 @p1 $0x1;
	p0 =	seq.s32 s7, s2  }
0x1e: {  	s7 =	smul.u32 @!p0 $0xF7A, s2;
	p2 =	seq.s32 @!p0 s5, $0x0  }
0x1f: {  	s9 =	smul.u32 $0xF7A, s1;
	s8 =	simm.s32 @!p0 $0x1BF5;
	p2 =	por !p2, p0  }
0x20: {  	[sflag:s8] =	ssyncset.s32 @!p0 $0xFFFFF086;
	s6 =	sadd.s32 @!p0 s3, s7;
	s7 =	simm.s32 @!p0 $0x108  }
0x21: {  	s3 =	sadd.s32 s3, s9;
	s6 =	sadd.s32 @!p0 $0x88, s6;
	s7 =	simm.s32 @p2 $0x1082  }
0x22: {  	[simem:s7], [sflag:s8] =	dma.local @!p0 [hbm:s6], $0xF7A  }
0x23: {  	s9 =	sor.u32 $0xD0000000, s2;
	s6 =	simm.s32 $0x108;
	_ =	swait.ge @!p0 [sflag:s8], $0x0  }
0x24: {  	s3 =	sadd.s32 $0x88, s3;
	s6 =	simm.s32 @!p1 $0x1082;
	[sflag:s4] =	ssyncset.s32 $0xFFFFF086  }
0x25: {  	[simem:s6], [sflag:s4] =	dma.local [hbm:s3], $0xF7A  }
0x26: {  	[smem:$0x3F9F] =	sst s1;
	(tag) =	ssettag s2;
	_ =	strace s9  }
0x27: {  	s1 =	sld [smem:$0x3FAF]  }
0x28: {  	s2 =	sld [smem:$0x3FB0]  }
0x29: {  	s4 =	sld [smem:$0x3FB2]  }
0x2a: {  	p0 =	seq.s32 s5, $0x0;
	s5 =	sld [smem:$0x3FB3]  }
0x2b: {  	s6 =	sld [smem:$0x3FB4]  }
0x2c: {  	s7 =	sld [smem:$0x3FB5]  }
0x2d: {  	s3 =	simm.s32 $0x108;
	s8 =	sld [smem:$0x3FB6]  }
0x2e: {  	s3 =	simm.s32 @!p0 $0x1082;
	s9 =	sld [smem:$0x3FB7]  }
0x2f: {  	lr =	sadd.s32 s0, s3;
	s0 =	sld [smem:$0x3FAE]  }
0x30: {  	s3 =	sld [smem:$0x3FB1]  }
0x31: {  	[smem:$0x3FBA] =	sst s10  }
0x32: {  	s10 =	sld [smem:$0x3FB8];
	_ =	sdelay $0x3  }
0x33: {  	p0 =	seq.s32 s10, $0x1;
	s10 =	sld [smem:$0x3FBA];
	_ =	sdelay $0x3  }
0x34: {  	[smem:$0x3FBA] =	sst s10  }
0x35: {  	s10 =	sld [smem:$0x3FB9];
	_ =	sdelay $0x3  }
0x36: {  	p1 =	seq.s32 s10, $0x1;
	s10 =	sld [smem:$0x3FBA];
	_ =	sdelay $0x3  }
0x37: {  	[smem:$0x3FBA] =	sst s10  }
0x38: {  	s10 =	sld [smem:$0x3FBB]  }
0x39: {  	_ = 	snop;
	(pc) =	sbr.ind lr, $3  }
0x3a: {  	_ = 	snop  }
0x3b: {  	_ = 	snop  }
0x3c: {  	p2 =	seq.s32 s10, $0x1;
	s10 =	sld [smem:$0x3FBA]  }
0x3d: {  	_ =	shalt  }
0x3e: {  	_ =	shalt  }
0x3f: {  	_ =	shalt  }
0x40: {  	_ =	shalt  }
0x41: {  	_ =	shalt  }
0x42: {  	_ =	shalt  }
0x43: {  	_ =	shalt  }
0x44: {  	_ =	shalt  }
0x45: {  	_ =	shalt  }
0x46: {  	_ =	shalt  }
0x47: {  	_ =	shalt  }
0x48: {  	_ =	shalt  }
0x49: {  	_ =	shalt  }
0x4a: {  	_ =	shalt  }
0x4b: {  	_ =	shalt  }
0x4c: {  	_ =	shalt  }
0x4d: {  	_ =	shalt  }
0x4e: {  	_ =	shalt  }
0x4f: {  	_ =	shalt  }
0x50: {  	_ =	shalt  }
0x51: {  	_ =	shalt  }
0x52: {  	_ =	shalt  }
0x53: {  	_ =	shalt  }
0x54: {  	_ =	shalt  }
0x55: {  	_ =	shalt  }
0x56: {  	_ =	shalt  }
0x57: {  	_ =	shalt  }
0x58: {  	_ =	shalt  }
0x59: {  	_ =	shalt  }
0x5a: {  	_ =	shalt  }
0x5b: {  	_ =	shalt  }
0x5c: {  	_ =	shalt  }
0x5d: {  	_ =	shalt  }
0x5e: {  	_ =	shalt  }
0x5f: {  	_ =	shalt  }
0x60: {  	_ =	shalt  }
0x61: {  	_ =	shalt  }
0x62: {  	_ =	shalt  }
0x63: {  	_ =	shalt  }
0x64: {  	_ =	shalt  }
0x65: {  	_ =	shalt  }
0x66: {  	_ =	shalt  }
0x67: {  	_ =	shalt  }
0x68: {  	_ =	shalt  }
0x69: {  	_ =	shalt  }
0x6a: {  	_ =	shalt  }
0x6b: {  	_ =	shalt  }
0x6c: {  	_ =	shalt  }
0x6d: {  	_ =	shalt  }
0x6e: {  	_ =	shalt  }
0x6f: {  	_ =	shalt  }
0x70: {  	_ =	shalt  }
0x71: {  	_ =	shalt  }
0x72: {  	_ =	shalt  }
0x73: {  	_ =	shalt  }
0x74: {  	_ =	shalt  }
0x75: {  	_ =	shalt  }
0x76: {  	_ =	shalt  }
0x77: {  	_ =	shalt  }
0x78: {  	_ =	shalt  }
0x79: {  	_ =	shalt  }
0x7a: {  	_ =	shalt  }
0x7b: {  	_ =	shalt  }
0x7c: {  	_ =	shalt  }
0x7d: {  	_ =	shalt  }
0x7e: {  	_ =	shalt  }
0x7f: {  	_ =	shalt  }
0x80: {  	_ =	shalt  }
0x81: {  	_ =	shalt  }
0x82: {  	_ =	shalt  }
0x83: {  	_ =	shalt  }
0x84: {  	_ =	shalt  }
0x85: {  	_ =	shalt  }
0x86: {  	_ =	shalt  }
0x87: {  	_ =	shalt  }
.Lfunc_end0:
.L_simem_size_0:
called_computation.1_lowered:
.L_overlay_start_0:
0x88: {  	s2 =	sld [smem:$0x3FD9]  }
0x89: {  	s3 =	sld [smem:$0x3FFE];
	_ =	sdelay $0x1  }
0x8a: {  	s1 =	srdreg.scid  }
0x8b: {  	s0 =	sand.u32 $0x1, s1  }
0x8c: {  	s17 =	sshll.u32 s0, $0xA;
	s2 =	sadd.s32 s3, s2  }
0x8d: {  	s2 =	sadd.s32 s2, s17  }
0x8e: {  	[smem:$0x3FC6] =	sst s2  }
0x8f: {  	_ = 	snop  }
0x90: {  	s2 =	sld [smem:$0x3FD0];
	(tm) =	ssettm $0x1  }
0x91: {  	s18 =	sld [smem:$0x3FFB];
	_ =	sdelay $0x3  }
0x92: {  	_ =	strace s18  }
0x93: {  	s3 =	sld [smem:$0x3FFC];
	_ =	sdelay $0x3  }
0x94: {  	_ =	strace s3  }
0x95: {  	s3 =	sld [smem:$0x3FFD];
	_ =	sdelay $0x3  }
0x96: {  	_ =	strace s3  }
0x97: {  	_ =	strace $0x8FFFFFFF  }
0x98: {  	s19 =	sld [smem:$0x3FDB];
	_ =	sdelay $0x1  }
0x99: {  	s4 =	simm.s32 $_scs_section_size  }
0x9a: {  	s5 =	simm.s32 $_size__tile_overlayer_lowered;
	s6 =	simm.s32 $_tile_overlayer_lowered  }
0x9b: {  	s22 =	simm.s32 $0x1BFF;
	s21 =	sshll.u32 s6, $0x1;
	s3 =	sadd.s32 s4, s19  }
0x9c: {  	s7 =	simm.s32 $0x0;
	s20 =	sshll.u32 s5, $0x1;
	s5 =	sadd.s32 s21, s3  }
0x9d: {  	[timem:s7], [sflag:s22] =	dma.local [hbm:s5], s20  }
0x9e: {  	_ =	swait.ge [sflag:s22], s20  }
0x9f: {  	s4 =	ssub.s32 $0x0, s20;
	[sflag:s22] =	ssyncset.done $0x0  }
0xa0: {  	[sflag:s22] =	ssyncadd.s32 s4;
	_ =	sdelay $0x1  }
0xa1: {  	s23 =	simm.s32 $0x1B8B  }
0xa2: {  	_ =	swait.ge [sflag:s23], $0x1  }
0xa3: {  	[sflag:s23] =	ssyncset.done $0x0  }
0xa4: {  	s25 =	simm.s32 $0x1B8E;
	s24 =	sld [smem:$0x3FFE];
	[sflag:s23] =	ssyncadd.s32 $0xFFFFFFFF  }
0xa5: {  	s26 =	simm.s32 $execute0_lowered;
	[smem:$0x3FD2] =	sst s25  }
0xa6: {  	s5 =	sshll.u32 s26, $0x1;
	_ =	strace $0x80000046;
	[dreg:$0x1] =	wrdreg $0xFFFFFFFF  }
0xa7: {  	s28 =	simm.s32 $_size_execute0_lowered;
	s3 =	sadd.s32 s3, s5;
	[dreg:$0x0] =	wrdreg $0x0  }
0xa8: {  	s5 =	sshll.u32 s28, $0x1;
	[dreg:$0x2] =	wrdreg s3  }
0xa9: {  	[dreg:$0x3] =	wrdreg s5  }
0xaa: {  	[dreg:$0x4] =	wrdreg $0xC0  }
0xab: {  	_ =	task [dreg:s7], $0x5FFFF  }
0xac: {  	[dreg:$0x1] =	wrdreg $0xFFFFFFFF  }
0xad: {  	[dreg:$0x0] =	wrdreg $0x60  }
0xae: {  	[dreg:$0x2] =	wrdreg s24  }
0xaf: {  	[dreg:$0x3] =	wrdreg s2  }
0xb0: {  	[dreg:$0x4] =	wrdreg $0x9  }
0xb1: {  	_ =	task.clear_ibuf [dreg:s7], $0x5FFFF;
	_ =	strace $0x90000046  }
0xb2: {  	s29 =	simm.s32 $0x9;
	_ =	strace $0x80000048  }
0xb3: {  	_ =	swait.ge [sflag:s29], $0x1  }
0xb4: {  	[sflag:s29] =	ssyncadd.s32 $0xFFFFFFFF  }
0xb5: {  	_ =	strace $0x90000048  }
0xb6: {  	_ =	sfence  }
0xb7: {  	s30 =	sld [smem:$0x0];
	_ =	sdelay $0x2  }
0xb8: {  	s31 =	sshll.u32 s1, $0xD;
	s1 =	sshrl.u32 s1, $0x2  }
0xb9: {  	s3 =	sand.u32 $0x4000, s31;
	s1 =	sadd.s32 s1, s30  }
0xba: {  	s0 =	sor.u32 s3, s0;
	s1 =	sshll.u32 s1, $0x11  }
0xbb: {  	s0 =	sor.u32 s1, s0  }
0xbc: {  	s0 =	sadd.s32 $0x8F2B, s0  }
0xbd: {  	[sflag:s0] =	ssyncadd.remote.s32 $0x1  }
0xbe: {  	_ =	sfence.sel $0xFFFF  }
0xbf: {  	[dreg:$0x0] =	wrdreg $0xFFFFFFFF;
	(pc) =	sbr.abs _section_cstart, $3  }
0xc0: {  	[dreg:$0x1] =	wrdreg $0xFFFFFFFF  }
0xc1: {  	_ =	task.clear_ibuf [dreg:s7], $0x2FFFF;
	_ =	strace $0x9FFFFFFF  }
0xc2: {  	(tm) =	ssettm $0x7FFFFFFF  }
0xc3: {  	_ =	shalt  }
tec
execute0_lowered:
.L_overlay_start_1:
0x0: {  	(tag) =	ssettag $0x1  }
0x1: {  	s0 =	srdreg.scid  }
0x2: {  	s4 =	stileid.u32;
	s2 =	rddreg [dreg:$0x0]  }
0x3: {  	s3 =	simm.s32 $0x0;
	s16 =	simm.s32 $0x80;
	s29 =	simm.s32 $0x12400  }
0x4: {  	s31 =	simm.s32 $0x14400;
	s19 =	simm.s32 $0x4;
	s28 =	simm.s32 $0x8  }
0x5: {  	s15 =	simm.s32 $0xC;
	s17 =	simm.s32 $0x0;
	s0 =	sand.u32 $0x1, s0  }
0x6: {  	s1 =	sshll.u32 s4, $0x1;
	s5 =	smul.u32 $0x320000, s4;
	[smem:$0x7FF] =	sst s3  }
0x7: {  	s1 =	sor.u32 s0, s1;
	s6 =	smul.u32 $0x190000, s0;
	s0 =	ssub.s32 $0x2, s0  }
0x8: {  	s4 =	sadd.s32 $0xF42E00, s2;
	s1 =	smul.u32 $0xC80, s1;
	s20 =	sshrl.u32 s0, $0x1  }
0x9: {  	_ =	strace $0x80000047;
	s5 =	sadd.s32 s6, s5;
	s0 =	ssub.s32 s0, s20  }
0xa: {  	s1 =	sadd.s32 s1, s2;
	s21 =	sor.u32 $0x6000, s5;
	s0 =	smax.u32 s0, $0x1  }
0xb: {  	s22 =	sor.u32 $0x4000, s5;
	s23 =	sor.u32 $0x2000, s5;
	s24 =	sor.u32 $0xE000, s5  }
0xc: {  	s10 =	sshrl.u32 s5, $0x3;
	s25 =	sor.u32 $0xC000, s5;
	s26 =	sor.u32 $0xA000, s5  }
0xd: {  	s30 =	sor.u32 $0x8000, s5;
	s2 =	simm.s32 $0x3;
	s1 =	sadd.s32 $0xA00, s1  }
0xe: {  	[dreg:$0x4] =	wrdreg s0;
	s7 =	sshrl.u32 s21, $0x3;
	s8 =	sshrl.u32 s22, $0x3  }
.Ltmp0:
0xf: {  	s9 =	sshrl.u32 s23, $0x3;
	s11 =	sshrl.u32 s24, $0x3;
	(pc) =	sbr.rel .LBB2_1-.Ltmp0, $4  }
0x10: {  	s12 =	sshrl.u32 s25, $0x3;
	s13 =	sshrl.u32 s26, $0x3;
	s14 =	sshrl.u32 s30, $0x3  }
0x11: {  	s22 =	simm.s32 $0xC400;
	s24 =	simm.s32 $0xE400;
	s26 =	simm.s32 $0x10400  }
0x12: {  	s0 =	simm.s32 $0x2;
	s21 =	simm.s32 $0x5;
	s23 =	simm.s32 $0x6  }
0x13: {  	s25 =	simm.s32 $0x7;
	[dreg:$0x3] =	wrdreg s1;
	s1 =	simm.s32 $0x1  }
.LBB2_4:
0x14: {  	s5 =	simm.s32 $0x9  }
0x15: {  	_ =	swait.ge [sflag:s5], $0x2000  }
0x16: {  	[sflag:s5] =	ssyncset.done $0x0  }
0x17: {  	s30 =	simm.s32 $0xA;
	[sflag:s5] =	ssyncadd.s32 $0xFFFFE000  }
0x18: {  	_ =	swait.ge [sflag:s30], $0x2000  }
0x19: {  	[sflag:s30] =	ssyncset.done $0x0  }
0x1a: {  	s6 =	simm.s32 $0xB;
	[sflag:s30] =	ssyncadd.s32 $0xFFFFE000  }
0x1b: {  	_ =	swait.ge [sflag:s6], $0x2000  }
0x1c: {  	[sflag:s6] =	ssyncset.done $0x0  }
0x1d: {  	[sflag:s6] =	ssyncadd.s32 $0xFFFFE000  }
0x1e: {  	_ =	swait.ge [sflag:s15], $0x2000  }
0x1f: {  	[sflag:s15] =	ssyncset.done $0x0  }
0x20: {  	s17 =	simm.s32 $0xD;
	[sflag:s15] =	ssyncadd.s32 $0xFFFFE000  }
0x21: {  	_ =	swait.ge [sflag:s17], $0x2000  }
0x22: {  	[sflag:s17] =	ssyncset.done $0x0  }
0x23: {  	s18 =	simm.s32 $0xE;
	[sflag:s17] =	ssyncadd.s32 $0xFFFFE000  }
0x24: {  	_ =	swait.ge [sflag:s18], $0x2000  }
0x25: {  	[sflag:s18] =	ssyncset.done $0x0  }
0x26: {  	s20 =	simm.s32 $0xF;
	[sflag:s18] =	ssyncadd.s32 $0xFFFFE000  }
0x27: {  	_ =	swait.ge [sflag:s20], $0x2000  }
0x28: {  	[sflag:s20] =	ssyncset.done $0x0  }
0x29: {  	s6 =	simm.s32 $0x10;
	[sflag:s20] =	ssyncadd.s32 $0xFFFFE000  }
0x2a: {  	_ =	swait.ge [sflag:s6], $0x2000  }
0x2b: {  	s17 =	rddreg [dreg:$0x5]  }
0x2c: {  	s30 =	rddreg [dreg:$0x4];
	s17 =	sadd.s32 $0x1, s17  }
0x2d: {  	p0 =	sne.s32 s17, s30  }
.Ltmp1:
0x2e: {  	_ = 	snop;
	(pc) =	sbr.rel @!p0 .LBB2_5-.Ltmp1, $3  }
0x2f: {  	_ =	sdelay $0x1  }
0x30: {  	[sflag:s6] =	ssyncset.done $0x0  }
0x31: {  	[sflag:s6] =	ssyncadd.s32 $0xFFFFE000  }
.LBB2_1:
0x32: {  	[dreg:$0x5] =	wrdreg s17  }
0x33: {  	s5 =	rddreg [dreg:$0x3];
	s20 =	simm.s32 $0x11  }
0x34: {  	[tilespmem:s3], [sflag:$0x11] =	stream.linear.gather [hbm4b:s5+s3], $0x6400, $0x38;
	[tilespmem:$0x16400] =	vst v63  }
0x35: {  	_ =	swait.ge [sflag:s20], $0x6400  }
0x36: {  	[sflag:s20] =	ssyncset.done $0x0  }
0x37: {  	s6 =	simm.s32 $0x6400;
	[sflag:s20] =	ssyncadd.s32 $0xFFFF9C00  }
0x38: {  	[tilespmem:s6], [sflag:$0x1] =	stream.indirect.gather [hbm4b:s4+s16], $0x40, s3, s16, $0xb8;
	[tilespmem:$0x16400] =	vst v63  }
0x39: {  	s17 =	simm.s32 $0x8400  }
0x3a: {  	[tilespmem:s17], [sflag:$0x2] =	stream.indirect.gather [hbm4b:s4+s16], $0x40, s16, s16, $0xb8;
	[tilespmem:$0x16400] =	vst v63  }
0x3b: {  	s18 =	simm.s32 $0x100;
	s6 =	simm.s32 $0xA400  }
0x3c: {  	[tilespmem:s6], [sflag:$0x3] =	stream.indirect.gather [hbm4b:s4+s16], $0x40, s18, s16, $0xb8;
	[tilespmem:$0x16400] =	vst v63  }
0x3d: {  	s20 =	simm.s32 $0x180  }
0x3e: {  	[tilespmem:s22], [sflag:$0x4] =	stream.indirect.gather [hbm4b:s4+s16], $0x40, s20, s16, $0xb8;
	[tilespmem:$0x16400] =	vst v63  }
0x3f: {  	s6 =	simm.s32 $0x200  }
0x40: {  	[tilespmem:s24], [sflag:$0x5] =	stream.indirect.gather [hbm4b:s4+s16], $0x40, s6, s16, $0xb8;
	[tilespmem:$0x16400] =	vst v63  }
0x41: {  	s17 =	simm.s32 $0x280  }
0x42: {  	[tilespmem:s26], [sflag:$0x6] =	stream.indirect.gather [hbm4b:s4+s16], $0x40, s17, s16, $0xb8;
	[tilespmem:$0x16400] =	vst v63  }
0x43: {  	s18 =	simm.s32 $0x300  }
0x44: {  	[tilespmem:s29], [sflag:$0x7] =	stream.indirect.gather [hbm4b:s4+s16], $0x40, s18, s16, $0xb8;
	[tilespmem:$0x16400] =	vst v63  }
0x45: {  	s30 =	simm.s32 $0x0;
	s20 =	simm.s32 $0x380;
	s6 =	rddreg [dreg:$0x1]  }
0x46: {  	[tilespmem:s31], [sflag:$0x8] =	stream.indirect.gather [hbm4b:s4+s16], $0x40, s20, s16, $0xb8;
	[tilespmem:$0x16400] =	vst v63  }
.LBB2_2:
0x47: {  	_ =	swait.ge [sflag:s1], $0x2000  }
0x48: {  	s5 =	sadd.s32 s6, s10;
	[sflag:s1] =	ssyncset.done $0x0  }
0x49: {  	s17 =	simm.s32 $0x6400;
	p0 =	seq.s32 s30, $0x0;
	[sflag:s1] =	ssyncadd.s32 $0xFFFFE000  }
0x4a: {  	[hbm4b:s5+s3] =	stream.linear.scatter [tilespmem:s17], [sflag:$0x9], $0x2000, $0x38;
	[tilespmem:$0x16400] =	vst v63  }
0x4b: {  	s5 =	simm.s32 @!p0 $0xD  }
0x4c: {  	_ =	swait.ge @!p0 [sflag:s5], $0x2000  }
0x4d: {  	[sflag:s5] =	ssyncset.done @!p0 $0x0  }
0x4e: {  	[sflag:s5] =	ssyncadd.s32 @!p0 $0xFFFFE000;
	s5 =	sshra.s32 @!p0 s30, $0x2  }
0x4f: {  	s18 =	simm.s32 @!p0 $0x80;
	s20 =	simm.s32 @!p0 $0xE400;
	s17 =	sadd.s32 @!p0 $0x200, s5  }
0x50: {  	[tilespmem:s20], [sflag:$0x5] =	stream.indirect.gather @!p0 [hbm4b:s4+s18], $0x40, s17, s18, $0xb8;
	[tilespmem:$0x16400] =	vst v63  }
0x51: {  	_ =	swait.ge [sflag:s0], $0x2000  }
0x52: {  	[sflag:s0] =	ssyncset.done $0x0  }
0x53: {  	s17 =	sadd.s32 s6, s9;
	s20 =	simm.s32 $0x8400;
	[sflag:s0] =	ssyncadd.s32 $0xFFFFE000  }
0x54: {  	[hbm4b:s17+s3] =	stream.linear.scatter [tilespmem:s20], [sflag:$0xA], $0x2000, $0x38;
	[tilespmem:$0x16400] =	vst v63  }
0x55: {  	s17 =	simm.s32 @!p0 $0xE  }
0x56: {  	_ =	swait.ge @!p0 [sflag:s17], $0x2000  }
0x57: {  	[sflag:s17] =	ssyncset.done @!p0 $0x0  }
0x58: {  	s20 =	simm.s32 @!p0 $0x10400;
	[sflag:s17] =	ssyncadd.s32 @!p0 $0xFFFFE000;
	s17 =	sadd.s32 @!p0 $0x280, s5  }
0x59: {  	[tilespmem:s20], [sflag:$0x6] =	stream.indirect.gather @!p0 [hbm4b:s4+s18], $0x40, s17, s18, $0xb8;
	[tilespmem:$0x16400] =	vst v63  }
0x5a: {  	_ =	swait.ge [sflag:s2], $0x2000  }
0x5b: {  	[sflag:s2] =	ssyncset.done $0x0  }
0x5c: {  	s17 =	sadd.s32 s6, s8;
	s20 =	simm.s32 $0xA400;
	[sflag:s2] =	ssyncadd.s32 $0xFFFFE000  }
0x5d: {  	[hbm4b:s17+s3] =	stream.linear.scatter [tilespmem:s20], [sflag:$0xB], $0x2000, $0x38;
	[tilespmem:$0x16400] =	vst v63  }
0x5e: {  	s17 =	simm.s32 @!p0 $0xF  }
0x5f: {  	_ =	swait.ge @!p0 [sflag:s17], $0x2000  }
0x60: {  	[sflag:s17] =	ssyncset.done @!p0 $0x0  }
0x61: {  	s20 =	simm.s32 @!p0 $0x12400;
	[sflag:s17] =	ssyncadd.s32 @!p0 $0xFFFFE000;
	s17 =	sadd.s32 @!p0 $0x300, s5  }
0x62: {  	[tilespmem:s20], [sflag:$0x7] =	stream.indirect.gather @!p0 [hbm4b:s4+s18], $0x40, s17, s18, $0xb8;
	[tilespmem:$0x16400] =	vst v63  }
0x63: {  	_ =	swait.ge [sflag:s19], $0x2000  }
0x64: {  	[sflag:s19] =	ssyncset.done $0x0  }
0x65: {  	s20 =	sadd.s32 s6, s7;
	s17 =	simm.s32 @!p0 $0x10;
	[sflag:s19] =	ssyncadd.s32 $0xFFFFE000  }
0x66: {  	[hbm4b:s20+s3] =	stream.linear.scatter [tilespmem:s22], [sflag:$0xC], $0x2000, $0x38;
	[tilespmem:$0x16400] =	vst v63  }
0x67: {  	_ =	swait.ge @!p0 [sflag:s17], $0x2000  }
0x68: {  	[sflag:s17] =	ssyncset.done @!p0 $0x0  }
0x69: {  	s5 =	sadd.s32 @!p0 $0x380, s5;
	[sflag:s17] =	ssyncadd.s32 @!p0 $0xFFFFE000;
	s17 =	simm.s32 @!p0 $0x14400  }
0x6a: {  	[tilespmem:s17], [sflag:$0x8] =	stream.indirect.gather @!p0 [hbm4b:s4+s18], $0x40, s5, s18, $0xb8;
	[tilespmem:$0x16400] =	vst v63  }
0x6b: {  	_ =	swait.ge [sflag:s21], $0x2000  }
0x6c: {  	p0 =	seq.s32 s30, $0x18000;
	[sflag:s21] =	ssyncset.done $0x0  }
0x6d: {  	s18 =	sadd.s32 s6, s14;
	s5 =	simm.s32 @!p0 $0x9;
	[sflag:s21] =	ssyncadd.s32 $0xFFFFE000  }
0x6e: {  	[hbm4b:s18+s3] =	stream.linear.scatter [tilespmem:s24], [sflag:$0xD], $0x2000, $0x38;
	[tilespmem:$0x16400] =	vst v63  }
0x6f: {  	_ =	swait.ge @!p0 [sflag:s5], $0x2000  }
0x70: {  	[sflag:s5] =	ssyncset.done @!p0 $0x0  }
0x71: {  	[sflag:s5] =	ssyncadd.s32 @!p0 $0xFFFFE000;
	s5 =	sshra.s32 @!p0 s30, $0x2  }
0x72: {  	s20 =	simm.s32 @!p0 $0x6400;
	s18 =	simm.s32 @!p0 $0x80;
	s17 =	sadd.s32 @!p0 $0x400, s5  }
0x73: {  	[tilespmem:s20], [sflag:$0x1] =	stream.indirect.gather @!p0 [hbm4b:s4+s18], $0x40, s17, s18, $0xb8;
	[tilespmem:$0x16400] =	vst v63  }
0x74: {  	_ =	swait.ge [sflag:s23], $0x2000  }
0x75: {  	[sflag:s23] =	ssyncset.done $0x0  }
0x76: {  	s20 =	sadd.s32 s6, s13;
	s17 =	simm.s32 @!p0 $0xA;
	[sflag:s23] =	ssyncadd.s32 $0xFFFFE000  }
0x77: {  	[hbm4b:s20+s3] =	stream.linear.scatter [tilespmem:s26], [sflag:$0xE], $0x2000, $0x38;
	[tilespmem:$0x16400] =	vst v63  }
0x78: {  	_ =	swait.ge @!p0 [sflag:s17], $0x2000  }
0x79: {  	[sflag:s17] =	ssyncset.done @!p0 $0x0  }
0x7a: {  	s20 =	simm.s32 @!p0 $0x8400;
	[sflag:s17] =	ssyncadd.s32 @!p0 $0xFFFFE000;
	s17 =	sadd.s32 @!p0 $0x480, s5  }
0x7b: {  	[tilespmem:s20], [sflag:$0x2] =	stream.indirect.gather @!p0 [hbm4b:s4+s18], $0x40, s17, s18, $0xb8;
	[tilespmem:$0x16400] =	vst v63  }
0x7c: {  	_ =	swait.ge [sflag:s25], $0x2000  }
0x7d: {  	[sflag:s25] =	ssyncset.done $0x0  }
0x7e: {  	s20 =	sadd.s32 s6, s12;
	s17 =	simm.s32 @!p0 $0xB;
	[sflag:s25] =	ssyncadd.s32 $0xFFFFE000  }
0x7f: {  	[hbm4b:s20+s3] =	stream.linear.scatter [tilespmem:s29], [sflag:$0xF], $0x2000, $0x38;
	[tilespmem:$0x16400] =	vst v63  }
0x80: {  	_ =	swait.ge @!p0 [sflag:s17], $0x2000  }
0x81: {  	[sflag:s17] =	ssyncset.done @!p0 $0x0  }
0x82: {  	s5 =	sadd.s32 @!p0 $0x500, s5;
	[sflag:s17] =	ssyncadd.s32 @!p0 $0xFFFFE000;
	s17 =	simm.s32 @!p0 $0xA400  }
0x83: {  	[tilespmem:s17], [sflag:$0x3] =	stream.indirect.gather @!p0 [hbm4b:s4+s18], $0x40, s5, s18, $0xb8;
	[tilespmem:$0x16400] =	vst v63  }
.Ltmp2:
0x84: {  	_ = 	snop;
	(pc) =	sbr.rel @p0 .LBB2_4-.Ltmp2, $4  }
0x85: {  	_ =	swait.ge [sflag:s28], $0x2000  }
0x86: {  	[sflag:s28] =	ssyncset.done $0x0  }
0x87: {  	s20 =	sadd.s32 s6, s11;
	[sflag:s28] =	ssyncadd.s32 $0xFFFFE000  }
0x88: {  	[hbm4b:s20+s3] =	stream.linear.scatter [tilespmem:s31], [sflag:$0x10], $0x2000, $0x38;
	[tilespmem:$0x16400] =	vst v63  }
.Ltmp3:
0x89: {  	(pc) =	sbr.rel .LBB2_2-.Ltmp3, $4  }
0x8a: {  	_ =	swait.ge [sflag:s15], $0x2000  }
0x8b: {  	s5 =	sshra.s32 s30, $0x2;
	s30 =	sadd.s32 $0x1000, s30;
	[sflag:s15] =	ssyncset.done $0x0  }
0x8c: {  	s6 =	sadd.s32 $0x2000, s6;
	s5 =	sadd.s32 $0x580, s5;
	[sflag:s15] =	ssyncadd.s32 $0xFFFFE000  }
0x8d: {  	[tilespmem:s22], [sflag:$0x4] =	stream.indirect.gather [hbm4b:s4+s16], $0x40, s5, s16, $0xb8;
	[tilespmem:$0x16400] =	vst v63  }
.LBB2_5:
0x8e: {  	_ =	sfence.sel $0x180000  }
0x8f: {  	[bflag:$0x0] =	sbarrier.arrive $0xFFFF  }
0x90: {  	_ =	strace $0x90000047  }
0x91: {  	s0 =	stileid.u32;
	[bflag:$0x2] =	sbarrier.arrive $0xFFFF  }
0x92: {  	p0 =	sne.s32 s0, $0x0;
	s0 =	rddreg [dreg:$0x2]  }
0x93: {  	s0 =	sadd.s32 @!p0 $0x100000, s0  }
0x94: {  	[sflag:s0] =	ssyncadd.tile.s32 @!p0 $0x1;
	_ =	shalt  }
.Lfunc_end2:
_tile_overlayer_lowered:
.L_overlay_start_2:
0x95: {  	(tag) =	ssettag $0x2  }
0x96: {  	s0 =	rddreg [dreg:$0x0];
	s2 =	stileid.u32  }
0x97: {  	s1 =	rddreg [dreg:$0x1];
	p0 =	sne.s32 s2, $0x0  }
0x98: {  	s3 =	rddreg [dreg:$0x2];
	[bflag:$0x3] =	sbarrier.arrive $0xFFFF;
	s2 =	simm.s32 @!p0 $0x1C11  }
0x99: {  	[timem:s3], [sflag:s2] =	dma.local @!p0 [hbm:s0], s1  }
0x9a: {  	s0 =	simm.s32 @!p0 $0x11  }
0x9b: {  	_ =	swait.ge @!p0 [sflag:s0], s1  }
0x9c: {  	s1 =	ssub.s32 @!p0 $0x0, s1;
	[sflag:s0] =	ssyncset.done @!p0 $0x0  }
0x9d: {  	[sflag:s0] =	ssyncadd.s32 @!p0 s1  }
0x9e: {  	[bflag:$0x3] =	sbarrier.arrive $0xFFFF  }
0x9f: {  	_ =	shalt  }

// kernel: sparse-core-data-format-call.cloned.1.call-start
scs
called_computation_lowered:
.L_overlay_start_0:
0x0: {  	s2 =	sld [smem:$0x3FD9]  }
0x1: {  	s3 =	sld [smem:$0x3FFE];
	_ =	sdelay $0x1  }
0x2: {  	s1 =	srdreg.scid  }
0x3: {  	s0 =	sand.u32 $0x1, s1  }
0x4: {  	s18 =	sshll.u32 s0, $0xA;
	s2 =	sadd.s32 s3, s2  }
0x5: {  	s2 =	sadd.s32 s2, s18  }
0x6: {  	[smem:$0x3FC6] =	sst s2  }
0x7: {  	_ = 	snop  }
0x8: {  	s2 =	sld [smem:$0x3FD0];
	(tm) =	ssettm $0x1  }
0x9: {  	s19 =	sld [smem:$0x3FFB];
	_ =	sdelay $0x3  }
0xa: {  	_ =	strace s19  }
0xb: {  	s3 =	sld [smem:$0x3FFC];
	_ =	sdelay $0x3  }
0xc: {  	_ =	strace s3  }
0xd: {  	s3 =	sld [smem:$0x3FFD];
	_ =	sdelay $0x3  }
0xe: {  	_ =	strace s3  }
0xf: {  	_ =	strace $0x8FFFFFFF  }
0x10: {  	s20 =	sld [smem:$0x3FDB];
	_ =	sdelay $0x1  }
0x11: {  	s4 =	simm.s32 $_scs_section_size  }
0x12: {  	s5 =	simm.s32 $_size__tile_overlayer_lowered;
	s6 =	simm.s32 $_tile_overlayer_lowered  }
0x13: {  	s23 =	simm.s32 $0x1BFF;
	s22 =	sshll.u32 s6, $0x1;
	s3 =	sadd.s32 s4, s20  }
0x14: {  	s7 =	simm.s32 $0x0;
	s21 =	sshll.u32 s5, $0x1;
	s5 =	sadd.s32 s22, s3  }
0x15: {  	[timem:s7], [sflag:s23] =	dma.local [hbm:s5], s21  }
0x16: {  	_ =	swait.ge [sflag:s23], s21  }
0x17: {  	s4 =	ssub.s32 $0x0, s21;
	[sflag:s23] =	ssyncset.done $0x0  }
0x18: {  	[sflag:s23] =	ssyncadd.s32 s4;
	_ =	sdelay $0x1  }
0x19: {  	s24 =	simm.s32 $0x1B8B  }
0x1a: {  	_ =	swait.ge [sflag:s24], $0x1  }
0x1b: {  	[sflag:s24] =	ssyncset.done $0x0  }
0x1c: {  	s26 =	simm.s32 $0x1B8E;
	s25 =	sld [smem:$0x3FFE];
	[sflag:s24] =	ssyncadd.s32 $0xFFFFFFFF  }
0x1d: {  	s27 =	simm.s32 $execute0_lowered;
	[smem:$0x3FD2] =	sst s26  }
0x1e: {  	s5 =	sshll.u32 s27, $0x1;
	_ =	strace $0x80000049;
	[dreg:$0x1] =	wrdreg $0xFFFFFFFF  }
0x1f: {  	s28 =	simm.s32 $_size_execute0_lowered;
	s3 =	sadd.s32 s3, s5;
	[dreg:$0x0] =	wrdreg $0x0  }
0x20: {  	s5 =	sshll.u32 s28, $0x1;
	[dreg:$0x2] =	wrdreg s3  }
0x21: {  	[dreg:$0x3] =	wrdreg s5  }
0x22: {  	[dreg:$0x4] =	wrdreg $0xC0  }
0x23: {  	_ =	task [dreg:s7], $0x5FFFF  }
0x24: {  	[dreg:$0x1] =	wrdreg $0xFFFFFFFF  }
0x25: {  	[dreg:$0x0] =	wrdreg $0x60  }
0x26: {  	[dreg:$0x2] =	wrdreg s25  }
0x27: {  	[dreg:$0x3] =	wrdreg s2  }
0x28: {  	[dreg:$0x4] =	wrdreg $0x9  }
0x29: {  	_ =	task.clear_ibuf [dreg:s7], $0x5FFFF;
	_ =	strace $0x90000049  }
0x2a: {  	s29 =	simm.s32 $0x9;
	_ =	strace $0x8000004B  }
0x2b: {  	_ =	swait.ge [sflag:s29], $0x1  }
0x2c: {  	[sflag:s29] =	ssyncadd.s32 $0xFFFFFFFF  }
0x2d: {  	_ =	strace $0x9000004B  }
0x2e: {  	_ =	sfence  }
0x2f: {  	s30 =	sld [smem:$0x0];
	_ =	sdelay $0x2  }
0x30: {  	s31 =	sshll.u32 s1, $0xD;
	s1 =	sshrl.u32 s1, $0x2  }
0x31: {  	s3 =	sand.u32 $0x4000, s31;
	s1 =	sadd.s32 s1, s30  }
0x32: {  	s0 =	sor.u32 s3, s0;
	s1 =	sshll.u32 s1, $0x11  }
0x33: {  	s0 =	sor.u32 s1, s0  }
0x34: {  	s0 =	sadd.s32 $0x8F2B, s0  }
0x35: {  	[sflag:s0] =	ssyncadd.remote.s32 $0x1  }
0x36: {  	_ =	sfence.sel $0xFFFF  }
0x37: {  	[dreg:$0x0] =	wrdreg $0xFFFFFFFF;
	(pc) =	sbr.abs _section_cstart, $3  }
0x38: {  	[dreg:$0x1] =	wrdreg $0xFFFFFFFF  }
0x39: {  	_ =	task.clear_ibuf [dreg:s7], $0x2FFFF;
	_ =	strace $0x9FFFFFFF  }
0x3a: {  	(tm) =	ssettm $0x7FFFFFFF  }
0x3b: {  	_ =	shalt  }
tec
execute0_lowered:
.L_overlay_start_1:
0x0: {  	(tag) =	ssettag $0x1  }
0x1: {  	s0 =	srdreg.scid  }
0x2: {  	s1 =	sshll.u32 s0, $0x4  }
0x3: {  	s0 =	stileid.u32;
	s1 =	sand.u32 $0x10, s1  }
0x4: {  	s1 =	sor.u32 s0, s1  }
0x5: {  	s6 =	rddreg [dreg:$0x0];
	s4 =	simm.s32 $0x1;
	s2 =	sshll.u32 s1, $0x7  }
0x6: {  	s7 =	simm.s32 $0x2;
	s12 =	simm.s32 $0x0;
	s1 =	ssub.s32 $0x1000, s2  }
0x7: {  	s8 =	simm.s32 $0x8000;
	s13 =	simm.s32 $0x0;
	s3 =	sand.u32 $0xF80, s1  }
0x8: {  	s9 =	simm.s32 $0x0;
	s5 =	sshrl.u32 s1, $0xC;
	p0 =	sne.s32 s3, $0x0  }
.Ltmp0:
0x9: {  	s1 =	rddreg [dreg:$0x2];
	s4 =	simm.s32 @!p0 $0x0;
	(pc) =	sbr.rel .LBB1_1-.Ltmp0, $4  }
0xa: {  	s11 =	simm.s32 $0x0;
	s3 =	rddreg [dreg:$0x1];
	s5 =	sadd.s32 s4, s5  }
0xb: {  	_ =	strace $0x8000004A;
	s4 =	simm.s32 $0x1;
	s5 =	smul.u32 $0xC8, s5  }
0xc: {  	s6 =	sadd.s32 $0xA00, s6;
	s10 =	smov.u32 s2;
	[sflag:s4] =	ssyncpa.u1 $0x0  }
0xd: {  	p0 =	por $0x0, $0x0;
	[sflag:s7] =	ssyncpa.u1 $0x0;
	s7 =	sor.u32 $0x1, s5  }
.LBB1_4:
0xe: {  	s16 =	sshll.u32 s13, $0x3;
	s17 =	sand.u32 $0x78, s13  }
0xf: {  	s30 =	sand.u32 $0x7E00, s13;
	s12 =	sshll.u32 s12, $0xF;
	s16 =	sand.u32 $0xC00, s16  }
0x10: {  	[tilespmem:s15+$0x810 ss:$0x81] =	vst.msk $0xffff, v2;
	s31 =	sand.u32 $0x7, s13;
	s16 =	sor.u32 s17, s16;
	s17 =	sadd.s32 s3, s30  }
0x11: {  	[tilespmem:s15+$0x1020 ss:$0x81] =	vst.msk $0xffff, v0;
	s13 =	sshll.u32 s31, $0x12;
	s12 =	sadd.s32 s12, s17;
	s16 =	sshrl.u32 s16, $0x3  }
0x12: {  	[tilespmem:s15+$0x0 ss:$0x81] =	vst.msk $0xffff, v1;
	s13 =	sor.u32 $0x400, s13;
	s12 =	sadd.s32 s16, s12  }
0x13: {  	[hbm4b:s12+s13] =	stream.strided.scatter [tilespmem:s14], [sflag:$0x2], $0x2000, s8, s13, $0x20;
	[tilespmem:$0x8080] =	vst v63  }
.LBB1_5:
0x14: {  	s14 =	sadd.s32 $0x1, s9  }
0x15: {  	s12 =	sadd.s32 $0x1000, s10;
	s16 =	smov.u32 s10;
	p2 =	sgt.s32 s14, $0xC7  }
0x16: {  	s16 =	smov.u32 @p2 s12  }
0x17: {  	s14 =	simm.s32 @p2 $0x0;
	p2 =	sgt.s32 s16, $0xFFF  }
0x18: {  	s16 =	smov.u32 @p2 s2;
	p2 =	sne.s32 s11, s7  }
.Ltmp1:
0x19: {  	p1 =	slt.u32 s11, $0x2;
	(pc) =	sbr.rel @!p2 .LBB1_6-.Ltmp1, $4  }
0x1a: {  	s15 =	simm.s32 @!p1 $0x2  }
0x1b: {  	s13 =	smov.u32 s10;
	p0 =	por !p0, !p0;
	_ =	swait.ge @!p1 [sflag:s15], $0x2000  }
0x1c: {  	s12 =	smov.u32 s9;
	[sflag:s15] =	ssyncset.done @!p1 $0x0;
	s9 =	smov.u32 s14  }
0x1d: {  	s11 =	sadd.s32 $0x1, s11;
	[sflag:s15] =	ssyncadd.s32 @!p1 $0xFFFFE000;
	s10 =	smov.u32 s16  }
.LBB1_1:
0x1e: {  	p1 =	sge.u32 s11, s5  }
0x1f: {  	s14 =	sand.u32 @!p1 $0x1FFFFFF, s9  }
0x20: {  	s15 =	smulhi.u32 @!p1 $0x147AE15, s14;
	_ =	sdelay $0x1  }
0x21: {  	s15 =	smul.u32 @!p1 $0xC8, s15  }
0x22: {  	s16 =	sxor.u32 @!p1 $0xFFFFFFFF, s11;
	s17 =	smul.u32 @!p1 $0xC80, s10  }
0x23: {  	s31 =	sadd.s32 $0xFFFFFFFF, s11;
	s16 =	sshll.u32 @!p1 s16, $0xD;
	s14 =	ssub.s32 @!p1 s14, s15  }
0x24: {  	s15 =	sand.u32 @!p1 $0x2000, s16;
	s16 =	sadd.s32 @!p1 s6, s17;
	s14 =	sshll.u32 @!p1 s14, $0x4  }
0x25: {  	s17 =	simm.s32 @!p1 $0x6400;
	s14 =	sadd.s32 @!p1 s14, s16;
	s16 =	simm.s32 @!p1 $0x40  }
0x26: {  	[tilespmem:s15], [sflag:$0x1] =	stream.strided.gather @!p1 [hbm4b:s14+s16], $0x2000, s17, s16, $0x38;
	[tilespmem:$0x8080] =	vst v63  }
0x27: {  	p1 =	sge.u32 s31, s5  }
.Ltmp2:
0x28: {  	_ = 	snop;
	(pc) =	sbr.rel @p1 .LBB1_5-.Ltmp2, $1  }
0x29: {  	_ =	sdelay $0x3  }
0x2a: {  	s14 =	simm.s32 $0x1  }
0x2b: {  	_ =	swait.ge [sflag:s4], $0x2000;
	s14 =	simm.s32 @!p0 $0x0  }
0x2c: {  	[sflag:s4] =	ssyncset.done $0x0;
	s15 =	sshll.u32 s14, $0xD  }
0x2d: {  	[sflag:s4] =	ssyncadd.s32 $0xFFFFE000;
	s18 =	sor.u32 $0x20, s15  }
0x2e: {  	s14 =	smul.u32 $0x8100, s14;
	v3 =	vld [tilespmem:s18+$0x10]  }
0x2f: {  	s30 =	sand.u32 $0x1, s11;
	v2 =	vld [tilespmem:s18+$0xFFFFFFF0]  }
0x30: {  	s15 =	smul.u32 $0x8100, s30;
	s14 =	sshrl.u32 s14, $0x2;
	v0 =	vld [tilespmem:s18+$0x0]  }
0x31: {  	v1 =	vld [tilespmem:s18+$0xFFFFFFE0];
	s16 =	sor.u32 $0x4000, s14  }
0x32: {  	s31 =	sshrl.u32 s15, $0x2;
	s15 =	sadd.s32 $0x0, s16  }
0x33: {  	s17 =	simm.s32 $0x4;
	s18 =	sadd.s32 $0x40, s18;
	s14 =	sor.u32 $0x4000, s31;
	[tilespmem:s15+$0x1830 ss:$0x81] =	vst.msk $0xffff, v3  }
.LBB1_3:
0x34: {  	v3 =	vld [tilespmem:s18+$0x10];
	p1 =	sne.s32 s17, $0x1FC;
	[tilespmem:s15+$0x810 ss:$0x81] =	vst.msk $0xffff, v2;
	s19 =	smov.u32 s17;
	s17 =	sadd.s32 $0x4, s17  }
.Ltmp3:
0x35: {  	v2 =	vld [tilespmem:s18+$0xFFFFFFF0];
	[tilespmem:s15+$0x1020 ss:$0x81] =	vst.msk $0xffff, v0;
	(pc) =	sbr.rel @p1 .LBB1_3-.Ltmp3, $4  }
0x36: {  	v0 =	vld [tilespmem:s18+$0x0];
	[tilespmem:s15+$0x0 ss:$0x81] =	vst.msk $0xffff, v1  }
0x37: {  	s15 =	sshra.s32 s19, $0x2;
	v1 =	vld [tilespmem:s18+$0xFFFFFFE0]  }
0x38: {  	s15 =	sadd.s32 s15, s16  }
0x39: {  	s18 =	sadd.s32 $0x40, s18;
	[tilespmem:s15+$0x1830 ss:$0x81] =	vst.msk $0xffff, v3  }
.Ltmp4:
0x3a: {  	_ = 	snop;
	(pc) =	sbr.rel .LBB1_4-.Ltmp4, $1  }
0x3b: {  	_ =	sdelay $0x3  }
.LBB1_6:
0x3c: {  	_ =	sfence.sel $0x180000  }
0x3d: {  	s2 =	simm.s32 $0x1;
	[bflag:$0x0] =	sbarrier.arrive $0xFFFF  }
0x3e: {  	s31 =	simm.s32 $0x2;
	[sflag:s2] =	ssyncpa.u1 $0x1  }
0x3f: {  	[sflag:s31] =	ssyncpa.u1 $0x1  }
0x40: {  	p0 =	sne.s32 s0, $0x0;
	_ =	strace $0x9000004A  }
0x41: {  	s0 =	sadd.s32 @!p0 $0x100000, s1;
	[bflag:$0x2] =	sbarrier.arrive $0xFFFF  }
0x42: {  	[sflag:s0] =	ssyncadd.tile.s32 @!p0 $0x1;
	_ =	shalt  }
.Lfunc_end1:
_tile_overlayer_lowered:
.L_overlay_start_2:
0x43: {  	(tag) =	ssettag $0x2  }
0x44: {  	s0 =	rddreg [dreg:$0x0];
	s2 =	stileid.u32  }
0x45: {  	s1 =	rddreg [dreg:$0x1];
	p0 =	sne.s32 s2, $0x0  }
0x46: {  	s3 =	rddreg [dreg:$0x2];
	[bflag:$0x3] =	sbarrier.arrive $0xFFFF;
	s2 =	simm.s32 @!p0 $0x1C01  }
0x47: {  	[timem:s3], [sflag:s2] =	dma.local @!p0 [hbm:s0], s1  }
0x48: {  	s0 =	simm.s32 @!p0 $0x1  }
0x49: {  	_ =	swait.ge @!p0 [sflag:s0], s1  }
0x4a: {  	s1 =	ssub.s32 @!p0 $0x0, s1;
	[sflag:s0] =	ssyncset.done @!p0 $0x0  }
0x4b: {  	[sflag:s0] =	ssyncadd.s32 @!p0 s1  }
0x4c: {  	[bflag:$0x3] =	sbarrier.arrive $0xFFFF  }
0x4d: {  	_ =	shalt  }

</sc_bundles>
